<compile_context>
chip_gen: v7x
topology: tpu7x:2x2x1
jax: 0.10.2.dev20260603
libtpu: 0.0.44.dev20260713+nightly
codegen_flags: <defaults>
</compile_context>

<pallas_src>
import functools

import jax
import jax.numpy as jnp
from jax import lax
from jax.experimental import pallas as pl
from jax.experimental.pallas import tpu as pltpu
from jax.experimental.pallas import tpu_sc as plsc

N = 10000
E = 320000
D = 128
NC, NS, L = 2, 16, 16
NW = NC * NS
KC = 80
CPT = 128
NB = 2
EPT = KC * CPT
E_PAD = NW * EPT
H = CPT // 2
NROW = 10112
RPT = NROW // NS
ZR = 79
NDEG = 10240
RPD = NDEG // NS
MB = 1024
GRID = -(-N // MB)


def _mesh():
  return plsc.VectorSubcoreMesh(
      core_axis_name="c", subcore_axis_name="s",
      num_cores=NC, num_subcores=NS)


def _sc_degree(dst3):

  @functools.partial(
      pl.kernel,
      out_type=jax.ShapeDtypeStruct((NC, NDEG), jnp.float32),
      mesh=_mesh(),
      scratch_types=[
          pltpu.VMEM((CPT, KC), jnp.int32),
          pltpu.VMEM((KC,), jnp.float32),
          pltpu.VMEM((RPD,), jnp.float32),
          pltpu.VMEM_SHARED((NDEG,), jnp.float32),
      ],
  )
  def k(dst_hbm, deg_hbm, dst_v, ones_v, z_v, deg_sp):
    cid = lax.axis_index("c")
    sid = lax.axis_index("s")
    wid = sid * NC + cid

    def fill_z(i, c):
      z_v[pl.ds(i * L, L)] = jnp.zeros((L,), jnp.float32)
      return c
    lax.fori_loop(0, RPD // L, fill_z, 0)

    def fill_o(i, c):
      ones_v[pl.ds(i * L, L)] = jnp.ones((L,), jnp.float32)
      return c
    lax.fori_loop(0, KC // L, fill_o, 0)

    pltpu.sync_copy(z_v, deg_sp.at[pl.ds(sid * RPD, RPD)])
    plsc.subcore_barrier()

    pltpu.sync_copy(dst_hbm.at[wid], dst_v)

    def step(j, c):
      pltpu.sync_copy(ones_v, deg_sp.at[dst_v.at[j]], add=True)
      return c
    lax.fori_loop(0, CPT, step, 0)

    plsc.subcore_barrier()
    pltpu.sync_copy(deg_sp.at[pl.ds(sid * RPD, RPD)],
                    deg_hbm.at[cid, pl.ds(sid * RPD, RPD)])

  return k(dst3)


def _sc_gather_scatter(idx5, xs):

  @functools.partial(
      pl.kernel,
      out_type=jax.ShapeDtypeStruct((NC, NROW, D), jnp.float32),
      mesh=_mesh(),
      scratch_types=[
          pltpu.VMEM((H, KC), jnp.int32),
          pltpu.VMEM((H, KC), jnp.int32),
          pltpu.VMEM((KC, D), jnp.float32),
          pltpu.VMEM((KC, D), jnp.float32),
          pltpu.VMEM_SHARED((NROW, D), jnp.float32),
          pltpu.SemaphoreType.DMA,
          pltpu.SemaphoreType.DMA,
      ],
  )
  def k(idx_hbm, xs_hbm, out_hbm, sidx_v, didx_v, rb0, rb1,
        acc_sp, g0, g1):
    cid = lax.axis_index("c")
    sid = lax.axis_index("s")
    wid = sid * NC + cid
    rb = [rb0, rb1]
    gsem = [g0, g1]

    def zrow(r, c):
      def zcol(i, c2):
        rb0[r, pl.ds(i * L, L)] = jnp.zeros((L,), jnp.float32)
        return c2
      lax.fori_loop(0, D // L, zcol, 0)
      return c
    lax.fori_loop(0, KC, zrow, 0)

    def zacc(t, c):
      pltpu.sync_copy(rb0, acc_sp.at[pl.ds(sid * RPT + t * KC, KC)])
      return c
    lax.fori_loop(0, RPT // KC, zacc, 0)
    if RPT % KC:
      pltpu.sync_copy(
          rb0.at[pl.ds(0, RPT % KC)],
          acc_sp.at[pl.ds(sid * RPT + (RPT // KC) * KC, RPT % KC)])
    plsc.subcore_barrier()

    for h in range(2):
      pltpu.sync_copy(idx_hbm.at[wid, h, 0], sidx_v)
      pltpu.sync_copy(idx_hbm.at[wid, h, 1], didx_v)
      for b in range(NB):
        pltpu.async_copy(xs_hbm.at[sidx_v.at[b]], rb[b], gsem[b])

      def step(j, c):
        for b in range(NB):
          pltpu.make_async_copy(
              xs_hbm.at[sidx_v.at[j + b]], rb[b], gsem[b]).wait()
          pltpu.sync_copy(rb[b], acc_sp.at[didx_v.at[j + b]], add=True)
          jj = jnp.minimum(j + NB + b, H - 1)
          pltpu.async_copy(xs_hbm.at[sidx_v.at[jj]], rb[b], gsem[b])
        return c
      lax.fori_loop(0, H // NB, lambda i, c: step(i * NB, c), 0)

      for b in range(NB):
        pltpu.make_async_copy(
            xs_hbm.at[sidx_v.at[H - 1]], rb[b], gsem[b]).wait()

    plsc.subcore_barrier()

    sl = pl.ds(sid * RPT, RPT)
    pltpu.sync_copy(acc_sp.at[sl], out_hbm.at[cid, sl])

  return k(idx5, xs)


def _tc_scale(x, W1, degp):

  def body(x_ref, w_ref, deg_ref, xs_ref, dinv_ref):
    deg = deg_ref[0, :] + deg_ref[1, :] + 1.0
    dinv = lax.rsqrt(deg)
    xw = jnp.dot(x_ref[...], w_ref[...],
                 preferred_element_type=jnp.float32,
                 precision=lax.Precision.HIGHEST)
    xs_ref[...] = xw * dinv[:, None]
    dinv_ref[...] = dinv

  return pl.pallas_call(
      body,
      grid=(GRID,),
      in_specs=[
          pl.BlockSpec((MB, D), lambda i: (i, 0)),
          pl.BlockSpec((D, D), lambda i: (0, 0)),
          pl.BlockSpec((NC, MB), lambda i: (0, i)),
      ],
      out_specs=[
          pl.BlockSpec((MB, D), lambda i: (i, 0)),
          pl.BlockSpec((MB,), lambda i: (i,)),
      ],
      out_shape=[
          jax.ShapeDtypeStruct((N, D), jnp.float32),
          jax.ShapeDtypeStruct((N,), jnp.float32),
      ],
  )(x, W1, degp)


def _tc_mlp(acc, xs, dinv, b1, W2, b2, w3, b3):
  def body(acc_ref, xs_ref, dinv_ref, b1_ref, w2_ref, b2_ref,
           w3_ref, b3_ref, y_ref):
    a = acc_ref[0] + acc_ref[1] + xs_ref[...]
    dinv = dinv_ref[...]
    h = jnp.maximum(a * dinv[:, None] + b1_ref[...][None, :], 0.0)
    h = jnp.dot(h, w2_ref[...], preferred_element_type=jnp.float32,
                precision=lax.Precision.HIGHEST) + b2_ref[...][None, :]
    h = jnp.maximum(h, 0.0)
    y_ref[...] = jnp.sum(h * w3_ref[...][None, :], axis=1) + b3_ref[0]

  return pl.pallas_call(
      body,
      grid=(GRID,),
      in_specs=[
          pl.BlockSpec((NC, MB, D), lambda i: (0, i, 0)),
          pl.BlockSpec((MB, D), lambda i: (i, 0)),
          pl.BlockSpec((MB,), lambda i: (i,)),
          pl.BlockSpec((D,), lambda i: (0,)),
          pl.BlockSpec((D, D), lambda i: (0, 0)),
          pl.BlockSpec((D,), lambda i: (0,)),
          pl.BlockSpec((D,), lambda i: (0,)),
          pl.BlockSpec((1,), lambda i: (0,)),
      ],
      out_specs=pl.BlockSpec((MB,), lambda i: (i,)),
      out_shape=jax.ShapeDtypeStruct((N,), jnp.float32),
  )(acc, xs, dinv, b1, W2, b2, w3, b3)


def kernel(x, edge_index, W1, b1, W2, b2, W3, b3):
  src = edge_index[0].astype(jnp.int32)
  dst = edge_index[1].astype(jnp.int32)
  pad = E_PAD - E
  src_p = jnp.concatenate([src, jnp.zeros((pad,), jnp.int32)])
  dst_p = jnp.concatenate([dst, jnp.full((pad,), N, jnp.int32)])
  dst3 = dst_p.reshape(NW, CPT, KC)

  idx5 = jnp.stack([src_p.reshape(NW, 2, H, KC),
                    dst_p.reshape(NW, 2, H, KC)], axis=2)

  degp = _sc_degree(dst3)
  xs, dinv = _tc_scale(x, W1, degp)
  acc = _sc_gather_scatter(idx5, xs)
  return _tc_mlp(acc, xs, dinv, b1, W2, b2, W3[:, 0], b3)

# --- scband reference (transcript-rebuilt; emitter-appended) ---
"""Pipeline reference for scband-simple-gcn-66838281061190 (READ-ONLY COPY).

The authoritative reference and input builder live on the scoring server;
editing this copy changes nothing except your own understanding.
"""

import jax, jax.numpy as jnp
import numpy as np

N_NODES = 10000
N_EDGES = 320000
D_IN = 128
D_HID = 128
D_OUT = 1


def setup_inputs(seed: int = 0) -> dict:
    key = jax.random.key(seed)
    k_x, k_ei, k_w1, k_b1, k_w2, k_b2, k_w3, k_b3 = jax.random.split(key, 8)
    x = jax.random.normal(k_x, (N_NODES, D_IN), dtype=jnp.float32)
    edge_index = jax.random.randint(k_ei, (2, N_EDGES), 0, N_NODES, dtype=jnp.int64)
    s1 = 1.0 / np.sqrt(D_IN)
    s2 = 1.0 / np.sqrt(D_HID)
    W1 = jax.random.uniform(k_w1, (D_IN, D_HID), jnp.float32, -s1, s1)
    b1 = jax.random.uniform(k_b1, (D_HID,), jnp.float32, -s1, s1)
    W2 = jax.random.uniform(k_w2, (D_HID, D_HID), jnp.float32, -s2, s2)
    b2 = jax.random.uniform(k_b2, (D_HID,), jnp.float32, -s2, s2)
    W3 = jax.random.uniform(k_w3, (D_HID, D_OUT), jnp.float32, -s2, s2)
    b3 = jax.random.uniform(k_b3, (D_OUT,), jnp.float32, -s2, s2)
    return {"x": x, "edge_index": edge_index, "W1": W1, "b1": b1, "W2": W2, "b2": b2, "W3": W3, "b3": b3}


def _gcn_conv(x, edge_index, W, b, num_nodes):
    # PyG GCNConv with add_self_loops=True, normalize=True
    src = edge_index[0]
    dst = edge_index[1]
    loop = jnp.arange(num_nodes, dtype=src.dtype)
    src = jnp.concatenate([src, loop], axis=0)
    dst = jnp.concatenate([dst, loop], axis=0)
    deg = jnp.zeros((num_nodes,), dtype=x.dtype).at[dst].add(1.0)
    deg_inv_sqrt = jnp.where(deg > 0, 1.0 / jnp.sqrt(deg), 0.0)
    norm = deg_inv_sqrt[src] * deg_inv_sqrt[dst]
    xw = x @ W
    msg = xw[src] * norm[:, None]
    out = jnp.zeros_like(xw).at[dst].add(msg)
    return out + b


def reference(x, edge_index, W1, b1, W2, b2, W3, b3):
    h = jax.nn.relu(_gcn_conv(x, edge_index, W1, b1, N_NODES))
    h = jax.nn.relu(h @ W2 + b2)
    y_hat = h @ W3 + b3
    y_hat = jnp.squeeze(y_hat, axis=-1)
    return y_hat

if __name__ == "__main__":
    import jax
    _d = setup_inputs()
    print(jax.jit(kernel)(*tuple(_d.values())))

</pallas_src>

<mosaic_0001>
#map = affine_map<(d0, d1) -> (0, 0, 0, 0, 0)>
#map1 = affine_map<(d0, d1) -> (0, 0)>
#map2 = affine_map<(d0, d1) -> (0, 0, 0)>
module attributes {stable_mosaic.version = 14 : i64} {
  func.func @k(%arg0: i32, %arg1: i32, %arg2: memref<32x2x2x64x80xi32, #tpu.memory_space<hbm>>, %arg3: memref<10000x128xf32, #tpu.memory_space<hbm>>, %arg4: memref<2x10112x128xf32, #tpu.memory_space<hbm>>, %arg5: memref<64x80xi32, #tpu.memory_space<vmem>>, %arg6: memref<64x80xi32, #tpu.memory_space<vmem>>, %arg7: memref<80x128xf32, #tpu.memory_space<vmem>>, %arg8: memref<80x128xf32, #tpu.memory_space<vmem>>, %arg9: memref<10112x128xf32, #tpu.memory_space<vmem_shared>>, %arg10: memref<!tpu.dma_semaphore, #tpu.memory_space<semaphore_mem>>, %arg11: memref<!tpu.dma_semaphore, #tpu.memory_space<semaphore_mem>>) attributes {dimension_semantics = [#tpu.dimension_semantics<core_parallel>, #tpu.dimension_semantics<subcore_parallel>], iteration_bounds = array<i64: 2, 16>, scalar_prefetch = 0 : i64, scratch_operands = 7 : i64, tpu.core_type = #tpu.core_type<sc_vector_subcore>, window_params = [{transform_indices = #map}, {transform_indices = #map1}, {transform_indices = #map2}]} {
    %mul3A = arith.constant 2 : i32
    %mul3A_0 = arith.muli %arg1, %mul3A : i32
    %add3A = arith.addi %mul3A_0, %arg0 : i32
    %scan3A = arith.constant 0 : i32
    %scan3A_1 = arith.constant 0 : i32
    %scan3A_2 = arith.constant 80 : i32
    %scan3A_3 = arith.addi %scan3A_1, %scan3A_2 : i32
    %scan3A_4 = arith.constant 1 : i32
    scf.for %scan3A_92 = %scan3A_1 to %scan3A_3 step %scan3A_4  : i32 {
      %scan3A_93 = arith.constant 0 : i32
      %scan3A_94 = arith.constant 0 : i32
      %scan3A_95 = arith.constant 8 : i32
      %scan3A_96 = arith.addi %scan3A_94, %scan3A_95 : i32
      %scan3A_97 = arith.constant 1 : i32
      scf.for %scan3A_99 = %scan3A_94 to %scan3A_96 step %scan3A_97  : i32 {
        %broadcast_in_dim3A = arith.constant 0.000000e+00 : f32
        %broadcast_in_dim3A_100 = vector.broadcast %broadcast_in_dim3A : f32 to vector<16xf32>
        %mul3A_101 = arith.constant 16 : i32
        %mul3A_102 = arith.muli %scan3A_99, %mul3A_101 : i32
        %swap3A = arith.index_cast %scan3A_92 : i32 to index
        %swap3A_103 = arith.index_cast %mul3A_102 : i32 to index
        %swap3A_104 = tpu.vector_load %arg7[%swap3A, %swap3A_103] {strides = array<i32>} : memref<80x128xf32, #tpu.memory_space<vmem>>, vector<1x16xf32>,
        %swap3A_105 = vector.shape_cast %swap3A_104 : vector<1x16xf32> to vector<16xf32>
        %swap3A_106 = vector.shape_cast %broadcast_in_dim3A_100 : vector<16xf32> to vector<1x16xf32>
        tpu.vector_store %arg7[%swap3A, %swap3A_103], %swap3A_106 {strides = array<i32>} : memref<80x128xf32, #tpu.memory_space<vmem>>, vector<1x16xf32>,
      }
      %scan3A_98 = arith.constant 8 : i32
    }
    %scan3A_5 = arith.constant 80 : i32
    %scan3A_6 = arith.constant 0 : i32
    %scan3A_7 = arith.constant 0 : i32
    %scan3A_8 = arith.constant 7 : i32
    %scan3A_9 = arith.addi %scan3A_7, %scan3A_8 : i32
    %scan3A_10 = arith.constant 1 : i32
    scf.for %scan3A_92 = %scan3A_7 to %scan3A_9 step %scan3A_10  : i32 {
      %mul3A_93 = arith.constant 632 : i32
      %mul3A_94 = arith.muli %arg1, %mul3A_93 : i32
      %mul3A_95 = arith.constant 80 : i32
      %mul3A_96 = arith.muli %scan3A_92, %mul3A_95 : i32
      %add3A_97 = arith.addi %mul3A_94, %mul3A_96 : i32
      "tpu.region"() ({
        %run_scoped3A_98 = tpu.sem_alloc : memref<!tpu.dma_semaphore, #tpu.memory_space<semaphore_mem>>
        %dma_start3A_99 = arith.constant 0 : i32
        %dma_start3A_100 = tpu.memref_slice %arg9[%add3A_97, %dma_start3A_99] : memref<10112x128xf32, #tpu.memory_space<vmem_shared>> -> memref<80x128xf32, #tpu.memory_space<vmem_shared>>
        %dma_start3A_101 = arith.constant 0 : i32
        %dma_start3A_102 = tpu.memref_slice %arg9[%add3A_97, %dma_start3A_101] : memref<10112x128xf32, #tpu.memory_space<vmem_shared>> -> memref<80x128xf32, #tpu.memory_space<vmem_shared>>
        tpu.enqueue_dma source(%arg7 : memref<80x128xf32, #tpu.memory_space<vmem>>) target(%dma_start3A_102 : memref<80x128xf32, #tpu.memory_space<vmem_shared>>) target_semaphore(%run_scoped3A_98 : memref<!tpu.dma_semaphore, #tpu.memory_space<semaphore_mem>>)
        %dma_wait3A_103 = arith.constant 0 : i32
        %dma_wait3A_104 = tpu.memref_slice %arg9[%add3A_97, %dma_wait3A_103] : memref<10112x128xf32, #tpu.memory_space<vmem_shared>> -> memref<80x128xf32, #tpu.memory_space<vmem_shared>>
        %dma_wait3A_105 = arith.constant 0 : i32
        %dma_wait3A_106 = tpu.memref_slice %arg9[%add3A_97, %dma_wait3A_105] : memref<10112x128xf32, #tpu.memory_space<vmem_shared>> -> memref<80x128xf32, #tpu.memory_space<vmem_shared>>
        tpu.wait_dma2 semaphore(%run_scoped3A_98 : memref<!tpu.dma_semaphore, #tpu.memory_space<semaphore_mem>>) src(%arg7 : memref<80x128xf32, #tpu.memory_space<vmem>>) dst(%dma_wait3A_106 : memref<80x128xf32, #tpu.memory_space<vmem_shared>>)
        tpu.yield
      }) : () -> ()
    }
    %scan3A_11 = arith.constant 7 : i32
    %mul3A_12 = arith.constant 632 : i32
    %mul3A_13 = arith.muli %arg1, %mul3A_12 : i32
    %add3A_14 = arith.constant 560 : i32
    %add3A_15 = arith.addi %mul3A_13, %add3A_14 : i32
    "tpu.region"() ({
      %run_scoped3A_92 = tpu.sem_alloc : memref<!tpu.dma_semaphore, #tpu.memory_space<semaphore_mem>>
      %dma_start3A_93 = arith.constant 0 : i32
      %dma_start3A_94 = arith.constant 0 : i32
      %dma_start3A_95 = tpu.memref_slice %arg7[%dma_start3A_93, %dma_start3A_94] : memref<80x128xf32, #tpu.memory_space<vmem>> -> memref<72x128xf32, #tpu.memory_space<vmem>>
      %dma_start3A_96 = arith.constant 0 : i32
      %dma_start3A_97 = tpu.memref_slice %arg9[%add3A_15, %dma_start3A_96] : memref<10112x128xf32, #tpu.memory_space<vmem_shared>> -> memref<72x128xf32, #tpu.memory_space<vmem_shared>>
      %dma_start3A_98 = arith.constant 0 : i32
      %dma_start3A_99 = tpu.memref_slice %arg9[%add3A_15, %dma_start3A_98] : memref<10112x128xf32, #tpu.memory_space<vmem_shared>> -> memref<72x128xf32, #tpu.memory_space<vmem_shared>>
      %dma_start3A_100 = arith.constant 0 : i32
      %dma_start3A_101 = arith.constant 0 : i32
      %dma_start3A_102 = tpu.memref_slice %arg7[%dma_start3A_100, %dma_start3A_101] : memref<80x128xf32, #tpu.memory_space<vmem>> -> memref<72x128xf32, #tpu.memory_space<vmem>>
      tpu.enqueue_dma source(%dma_start3A_102 : memref<72x128xf32, #tpu.memory_space<vmem>>) target(%dma_start3A_99 : memref<72x128xf32, #tpu.memory_space<vmem_shared>>) target_semaphore(%run_scoped3A_92 : memref<!tpu.dma_semaphore, #tpu.memory_space<semaphore_mem>>)
      %dma_wait3A_103 = arith.constant 0 : i32
      %dma_wait3A_104 = arith.constant 0 : i32
      %dma_wait3A_105 = tpu.memref_slice %arg7[%dma_wait3A_103, %dma_wait3A_104] : memref<80x128xf32, #tpu.memory_space<vmem>> -> memref<72x128xf32, #tpu.memory_space<vmem>>
      %dma_wait3A_106 = arith.constant 0 : i32
      %dma_wait3A_107 = tpu.memref_slice %arg9[%add3A_15, %dma_wait3A_106] : memref<10112x128xf32, #tpu.memory_space<vmem_shared>> -> memref<72x128xf32, #tpu.memory_space<vmem_shared>>
      %dma_wait3A_108 = arith.constant 0 : i32
      %dma_wait3A_109 = tpu.memref_slice %arg9[%add3A_15, %dma_wait3A_108] : memref<10112x128xf32, #tpu.memory_space<vmem_shared>> -> memref<72x128xf32, #tpu.memory_space<vmem_shared>>
      %dma_wait3A_110 = arith.constant 0 : i32
      %dma_wait3A_111 = arith.constant 0 : i32
      %dma_wait3A_112 = tpu.memref_slice %arg7[%dma_wait3A_110, %dma_wait3A_111] : memref<80x128xf32, #tpu.memory_space<vmem>> -> memref<72x128xf32, #tpu.memory_space<vmem>>
      tpu.wait_dma2 semaphore(%run_scoped3A_92 : memref<!tpu.dma_semaphore, #tpu.memory_space<semaphore_mem>>) src(%dma_wait3A_112 : memref<72x128xf32, #tpu.memory_space<vmem>>) dst(%dma_wait3A_109 : memref<72x128xf32, #tpu.memory_space<vmem_shared>>)
      tpu.yield
    }) : () -> ()
    %barrier3A = arith.constant 0 : index
    tpu.barrier barrier_id(%barrier3A)
    %run_scoped3A = arith.constant 0 : i32
    %run_scoped3A_16 = arith.constant 0 : i32
    "tpu.region"() ({
      %run_scoped3A_92 = tpu.sem_alloc : memref<!tpu.dma_semaphore, #tpu.memory_space<semaphore_mem>>
      %dma_start3A_93 = arith.constant 0 : i32
      %dma_start3A_94 = arith.constant 0 : i32
      %dma_start3A_95 = tpu.memref_slice %arg2[%add3A, %run_scoped3A, %run_scoped3A_16, %dma_start3A_93, %dma_start3A_94] : memref<32x2x2x64x80xi32, #tpu.memory_space<hbm>> -> memref<1x1x1x64x80xi32, #tpu.memory_space<hbm>>
      %dma_start3A_96 = tpu.memref_squeeze %dma_start3A_95 : memref<1x1x1x64x80xi32, #tpu.memory_space<hbm>> -> memref<64x80xi32, #tpu.memory_space<hbm>>
      %dma_start3A_97 = arith.constant 0 : i32
      %dma_start3A_98 = arith.constant 0 : i32
      %dma_start3A_99 = tpu.memref_slice %arg2[%add3A, %run_scoped3A, %run_scoped3A_16, %dma_start3A_97, %dma_start3A_98] : memref<32x2x2x64x80xi32, #tpu.memory_space<hbm>> -> memref<1x1x1x64x80xi32, #tpu.memory_space<hbm>>
      %dma_start3A_100 = tpu.memref_squeeze %dma_start3A_99 : memref<1x1x1x64x80xi32, #tpu.memory_space<hbm>> -> memref<64x80xi32, #tpu.memory_space<hbm>>
      tpu.enqueue_dma source(%dma_start3A_100 : memref<64x80xi32, #tpu.memory_space<hbm>>) target(%arg5 : memref<64x80xi32, #tpu.memory_space<vmem>>) target_semaphore(%run_scoped3A_92 : memref<!tpu.dma_semaphore, #tpu.memory_space<semaphore_mem>>)
      %dma_wait3A_101 = arith.constant 0 : i32
      %dma_wait3A_102 = arith.constant 0 : i32
      %dma_wait3A_103 = tpu.memref_slice %arg2[%add3A, %run_scoped3A, %run_scoped3A_16, %dma_wait3A_101, %dma_wait3A_102] : memref<32x2x2x64x80xi32, #tpu.memory_space<hbm>> -> memref<1x1x1x64x80xi32, #tpu.memory_space<hbm>>
      %dma_wait3A_104 = tpu.memref_squeeze %dma_wait3A_103 : memref<1x1x1x64x80xi32, #tpu.memory_space<hbm>> -> memref<64x80xi32, #tpu.memory_space<hbm>>
      %dma_wait3A_105 = arith.constant 0 : i32
      %dma_wait3A_106 = arith.constant 0 : i32
      %dma_wait3A_107 = tpu.memref_slice %arg2[%add3A, %run_scoped3A, %run_scoped3A_16, %dma_wait3A_105, %dma_wait3A_106] : memref<32x2x2x64x80xi32, #tpu.memory_space<hbm>> -> memref<1x1x1x64x80xi32, #tpu.memory_space<hbm>>
      %dma_wait3A_108 = tpu.memref_squeeze %dma_wait3A_107 : memref<1x1x1x64x80xi32, #tpu.memory_space<hbm>> -> memref<64x80xi32, #tpu.memory_space<hbm>>
      tpu.wait_dma2 semaphore(%run_scoped3A_92 : memref<!tpu.dma_semaphore, #tpu.memory_space<semaphore_mem>>) src(%dma_wait3A_108 : memref<64x80xi32, #tpu.memory_space<hbm>>) dst(%arg5 : memref<64x80xi32, #tpu.memory_space<vmem>>)
      tpu.yield
    }) : () -> ()
    %run_scoped3A_17 = arith.constant 0 : i32
    %run_scoped3A_18 = arith.constant 1 : i32
    "tpu.region"() ({
      %run_scoped3A_92 = tpu.sem_alloc : memref<!tpu.dma_semaphore, #tpu.memory_space<semaphore_mem>>
      %dma_start3A_93 = arith.constant 0 : i32
      %dma_start3A_94 = arith.constant 0 : i32
      %dma_start3A_95 = tpu.memref_slice %arg2[%add3A, %run_scoped3A_17, %run_scoped3A_18, %dma_start3A_93, %dma_start3A_94] : memref<32x2x2x64x80xi32, #tpu.memory_space<hbm>> -> memref<1x1x1x64x80xi32, #tpu.memory_space<hbm>>
      %dma_start3A_96 = tpu.memref_squeeze %dma_start3A_95 : memref<1x1x1x64x80xi32, #tpu.memory_space<hbm>> -> memref<64x80xi32, #tpu.memory_space<hbm>>
      %dma_start3A_97 = arith.constant 0 : i32
      %dma_start3A_98 = arith.constant 0 : i32
      %dma_start3A_99 = tpu.memref_slice %arg2[%add3A, %run_scoped3A_17, %run_scoped3A_18, %dma_start3A_97, %dma_start3A_98] : memref<32x2x2x64x80xi32, #tpu.memory_space<hbm>> -> memref<1x1x1x64x80xi32, #tpu.memory_space<hbm>>
      %dma_start3A_100 = tpu.memref_squeeze %dma_start3A_99 : memref<1x1x1x64x80xi32, #tpu.memory_space<hbm>> -> memref<64x80xi32, #tpu.memory_space<hbm>>
      tpu.enqueue_dma source(%dma_start3A_100 : memref<64x80xi32, #tpu.memory_space<hbm>>) target(%arg6 : memref<64x80xi32, #tpu.memory_space<vmem>>) target_semaphore(%run_scoped3A_92 : memref<!tpu.dma_semaphore, #tpu.memory_space<semaphore_mem>>)
      %dma_wait3A_101 = arith.constant 0 : i32
      %dma_wait3A_102 = arith.constant 0 : i32
      %dma_wait3A_103 = tpu.memref_slice %arg2[%add3A, %run_scoped3A_17, %run_scoped3A_18, %dma_wait3A_101, %dma_wait3A_102] : memref<32x2x2x64x80xi32, #tpu.memory_space<hbm>> -> memref<1x1x1x64x80xi32, #tpu.memory_space<hbm>>
      %dma_wait3A_104 = tpu.memref_squeeze %dma_wait3A_103 : memref<1x1x1x64x80xi32, #tpu.memory_space<hbm>> -> memref<64x80xi32, #tpu.memory_space<hbm>>
      %dma_wait3A_105 = arith.constant 0 : i32
      %dma_wait3A_106 = arith.constant 0 : i32
      %dma_wait3A_107 = tpu.memref_slice %arg2[%add3A, %run_scoped3A_17, %run_scoped3A_18, %dma_wait3A_105, %dma_wait3A_106] : memref<32x2x2x64x80xi32, #tpu.memory_space<hbm>> -> memref<1x1x1x64x80xi32, #tpu.memory_space<hbm>>
      %dma_wait3A_108 = tpu.memref_squeeze %dma_wait3A_107 : memref<1x1x1x64x80xi32, #tpu.memory_space<hbm>> -> memref<64x80xi32, #tpu.memory_space<hbm>>
      tpu.wait_dma2 semaphore(%run_scoped3A_92 : memref<!tpu.dma_semaphore, #tpu.memory_space<semaphore_mem>>) src(%dma_wait3A_108 : memref<64x80xi32, #tpu.memory_space<hbm>>) dst(%arg6 : memref<64x80xi32, #tpu.memory_space<vmem>>)
      tpu.yield
    }) : () -> ()
    %dma_start3A = arith.constant 0 : i32
    %dma_start3A_19 = arith.constant 0 : i32
    %dma_start3A_20 = tpu.memref_slice %arg5[%dma_start3A, %dma_start3A_19] : memref<64x80xi32, #tpu.memory_space<vmem>> -> memref<1x80xi32, #tpu.memory_space<vmem>>
    %dma_start3A_21 = tpu.memref_squeeze %dma_start3A_20 : memref<1x80xi32, #tpu.memory_space<vmem>> -> memref<80xi32, #tpu.memory_space<vmem>>
    %dma_start3A_22 = arith.constant 0 : i32
    %dma_start3A_23 = arith.constant 0 : i32
    %dma_start3A_24 = tpu.memref_slice %arg3[%dma_start3A_22, %dma_start3A_23] : memref<10000x128xf32, #tpu.memory_space<hbm>> -> memref<10000x128xf32, #tpu.memory_space<hbm>>
    tpu.enqueue_indirect_dma source(%dma_start3A_24 : memref<10000x128xf32, #tpu.memory_space<hbm>>) target(%arg7 : memref<80x128xf32, #tpu.memory_space<vmem>>) offsets(%dma_start3A_21 : memref<80xi32, #tpu.memory_space<vmem>>) semaphore(%arg10 : memref<!tpu.dma_semaphore, #tpu.memory_space<semaphore_mem>>)
    %dma_start3A_25 = arith.constant 1 : i32
    %dma_start3A_26 = arith.constant 0 : i32
    %dma_start3A_27 = tpu.memref_slice %arg5[%dma_start3A_25, %dma_start3A_26] : memref<64x80xi32, #tpu.memory_space<vmem>> -> memref<1x80xi32, #tpu.memory_space<vmem>>
    %dma_start3A_28 = tpu.memref_squeeze %dma_start3A_27 : memref<1x80xi32, #tpu.memory_space<vmem>> -> memref<80xi32, #tpu.memory_space<vmem>>
    %dma_start3A_29 = arith.constant 0 : i32
    %dma_start3A_30 = arith.constant 0 : i32
    %dma_start3A_31 = tpu.memref_slice %arg3[%dma_start3A_29, %dma_start3A_30] : memref<10000x128xf32, #tpu.memory_space<hbm>> -> memref<10000x128xf32, #tpu.memory_space<hbm>>
    tpu.enqueue_indirect_dma source(%dma_start3A_31 : memref<10000x128xf32, #tpu.memory_space<hbm>>) target(%arg8 : memref<80x128xf32, #tpu.memory_space<vmem>>) offsets(%dma_start3A_28 : memref<80xi32, #tpu.memory_space<vmem>>) semaphore(%arg11 : memref<!tpu.dma_semaphore, #tpu.memory_space<semaphore_mem>>)
    %scan3A_32 = arith.constant 0 : i32
    %scan3A_33 = arith.constant 0 : i32
    %scan3A_34 = arith.constant 32 : i32
    %scan3A_35 = arith.addi %scan3A_33, %scan3A_34 : i32
    %scan3A_36 = arith.constant 1 : i32
    scf.for %scan3A_92 = %scan3A_33 to %scan3A_35 step %scan3A_36  : i32 {
      %mul3A_93 = arith.constant 2 : i32
      %mul3A_94 = arith.muli %scan3A_92, %mul3A_93 : i32
      %add3A_95 = arith.constant 0 : i32
      %add3A_96 = arith.addi %mul3A_94, %add3A_95 : i32
      %dma_wait3A_97 = arith.constant 0 : i32
      %dma_wait3A_98 = tpu.memref_slice %arg5[%add3A_96, %dma_wait3A_97] : memref<64x80xi32, #tpu.memory_space<vmem>> -> memref<1x80xi32, #tpu.memory_space<vmem>>
      %dma_wait3A_99 = tpu.memref_squeeze %dma_wait3A_98 : memref<1x80xi32, #tpu.memory_space<vmem>> -> memref<80xi32, #tpu.memory_space<vmem>>
      %dma_wait3A_100 = arith.constant 0 : i32
      %dma_wait3A_101 = arith.constant 0 : i32
      %dma_wait3A_102 = tpu.memref_slice %arg3[%dma_wait3A_100, %dma_wait3A_101] : memref<10000x128xf32, #tpu.memory_space<hbm>> -> memref<10000x128xf32, #tpu.memory_space<hbm>>
      tpu.wait_indirect_dma semaphore(%arg10 : memref<!tpu.dma_semaphore, #tpu.memory_space<semaphore_mem>>) src(%dma_wait3A_102 : memref<10000x128xf32, #tpu.memory_space<hbm>>) dst(%arg7 : memref<80x128xf32, #tpu.memory_space<vmem>>)
      %add3A_103 = arith.constant 0 : i32
      %add3A_104 = arith.addi %mul3A_94, %add3A_103 : i32
      "tpu.region"() ({
        %run_scoped3A_138 = tpu.sem_alloc : memref<!tpu.dma_semaphore, #tpu.memory_space<semaphore_mem>>
        %dma_start3A_139 = arith.constant 0 : i32
        %dma_start3A_140 = tpu.memref_slice %arg6[%add3A_104, %dma_start3A_139] : memref<64x80xi32, #tpu.memory_space<vmem>> -> memref<1x80xi32, #tpu.memory_space<vmem>>
        %dma_start3A_141 = tpu.memref_squeeze %dma_start3A_140 : memref<1x80xi32, #tpu.memory_space<vmem>> -> memref<80xi32, #tpu.memory_space<vmem>>
        %dma_start3A_142 = arith.constant 0 : i32
        %dma_start3A_143 = arith.constant 0 : i32
        %dma_start3A_144 = tpu.memref_slice %arg9[%dma_start3A_142, %dma_start3A_143] : memref<10112x128xf32, #tpu.memory_space<vmem_shared>> -> memref<10112x128xf32, #tpu.memory_space<vmem_shared>>
        tpu.enqueue_indirect_dma source(%arg7 : memref<80x128xf32, #tpu.memory_space<vmem>>) target(%dma_start3A_144 : memref<10112x128xf32, #tpu.memory_space<vmem_shared>>) offsets(%dma_start3A_141 : memref<80xi32, #tpu.memory_space<vmem>>) semaphore(%run_scoped3A_138 : memref<!tpu.dma_semaphore, #tpu.memory_space<semaphore_mem>>) {add = true}
        %dma_wait3A_145 = arith.constant 0 : i32
        %dma_wait3A_146 = tpu.memref_slice %arg6[%add3A_104, %dma_wait3A_145] : memref<64x80xi32, #tpu.memory_space<vmem>> -> memref<1x80xi32, #tpu.memory_space<vmem>>
        %dma_wait3A_147 = tpu.memref_squeeze %dma_wait3A_146 : memref<1x80xi32, #tpu.memory_space<vmem>> -> memref<80xi32, #tpu.memory_space<vmem>>
        %dma_wait3A_148 = arith.constant 0 : i32
        %dma_wait3A_149 = arith.constant 0 : i32
        %dma_wait3A_150 = tpu.memref_slice %arg9[%dma_wait3A_148, %dma_wait3A_149] : memref<10112x128xf32, #tpu.memory_space<vmem_shared>> -> memref<10112x128xf32, #tpu.memory_space<vmem_shared>>
        tpu.wait_indirect_dma semaphore(%run_scoped3A_138 : memref<!tpu.dma_semaphore, #tpu.memory_space<semaphore_mem>>) src(%arg7 : memref<80x128xf32, #tpu.memory_space<vmem>>) dst(%dma_wait3A_150 : memref<10112x128xf32, #tpu.memory_space<vmem_shared>>)
        tpu.yield
      }) : () -> ()
      %add3A_105 = arith.constant 2 : i32
      %add3A_106 = arith.addi %mul3A_94, %add3A_105 : i32
      %add3A_107 = arith.constant 0 : i32
      %add3A_108 = arith.addi %add3A_106, %add3A_107 : i32
      %min3A = arith.constant 63 : i32
      %min3A_109 = arith.minsi %add3A_108, %min3A : i32
      %dma_start3A_110 = arith.constant 0 : i32
      %dma_start3A_111 = tpu.memref_slice %arg5[%min3A_109, %dma_start3A_110] : memref<64x80xi32, #tpu.memory_space<vmem>> -> memref<1x80xi32, #tpu.memory_space<vmem>>
      %dma_start3A_112 = tpu.memref_squeeze %dma_start3A_111 : memref<1x80xi32, #tpu.memory_space<vmem>> -> memref<80xi32, #tpu.memory_space<vmem>>
      %dma_start3A_113 = arith.constant 0 : i32
      %dma_start3A_114 = arith.constant 0 : i32
      %dma_start3A_115 = tpu.memref_slice %arg3[%dma_start3A_113, %dma_start3A_114] : memref<10000x128xf32, #tpu.memory_space<hbm>> -> memref<10000x128xf32, #tpu.memory_space<hbm>>
      tpu.enqueue_indirect_dma source(%dma_start3A_115 : memref<10000x128xf32, #tpu.memory_space<hbm>>) target(%arg7 : memref<80x128xf32, #tpu.memory_space<vmem>>) offsets(%dma_start3A_112 : memref<80xi32, #tpu.memory_space<vmem>>) semaphore(%arg10 : memref<!tpu.dma_semaphore, #tpu.memory_space<semaphore_mem>>)
      %add3A_116 = arith.constant 1 : i32
      %add3A_117 = arith.addi %mul3A_94, %add3A_116 : i32
      %dma_wait3A_118 = arith.constant 0 : i32
      %dma_wait3A_119 = tpu.memref_slice %arg5[%add3A_117, %dma_wait3A_118] : memref<64x80xi32, #tpu.memory_space<vmem>> -> memref<1x80xi32, #tpu.memory_space<vmem>>
      %dma_wait3A_120 = tpu.memref_squeeze %dma_wait3A_119 : memref<1x80xi32, #tpu.memory_space<vmem>> -> memref<80xi32, #tpu.memory_space<vmem>>
      %dma_wait3A_121 = arith.constant 0 : i32
      %dma_wait3A_122 = arith.constant 0 : i32
      %dma_wait3A_123 = tpu.memref_slice %arg3[%dma_wait3A_121, %dma_wait3A_122] : memref<10000x128xf32, #tpu.memory_space<hbm>> -> memref<10000x128xf32, #tpu.memory_space<hbm>>
      tpu.wait_indirect_dma semaphore(%arg11 : memref<!tpu.dma_semaphore, #tpu.memory_space<semaphore_mem>>) src(%dma_wait3A_123 : memref<10000x128xf32, #tpu.memory_space<hbm>>) dst(%arg8 : memref<80x128xf32, #tpu.memory_space<vmem>>)
      %add3A_124 = arith.constant 1 : i32
      %add3A_125 = arith.addi %mul3A_94, %add3A_124 : i32
      "tpu.region"() ({
        %run_scoped3A_138 = tpu.sem_alloc : memref<!tpu.dma_semaphore, #tpu.memory_space<semaphore_mem>>
        %dma_start3A_139 = arith.constant 0 : i32
        %dma_start3A_140 = tpu.memref_slice %arg6[%add3A_125, %dma_start3A_139] : memref<64x80xi32, #tpu.memory_space<vmem>> -> memref<1x80xi32, #tpu.memory_space<vmem>>
        %dma_start3A_141 = tpu.memref_squeeze %dma_start3A_140 : memref<1x80xi32, #tpu.memory_space<vmem>> -> memref<80xi32, #tpu.memory_space<vmem>>
        %dma_start3A_142 = arith.constant 0 : i32
        %dma_start3A_143 = arith.constant 0 : i32
        %dma_start3A_144 = tpu.memref_slice %arg9[%dma_start3A_142, %dma_start3A_143] : memref<10112x128xf32, #tpu.memory_space<vmem_shared>> -> memref<10112x128xf32, #tpu.memory_space<vmem_shared>>
        tpu.enqueue_indirect_dma source(%arg8 : memref<80x128xf32, #tpu.memory_space<vmem>>) target(%dma_start3A_144 : memref<10112x128xf32, #tpu.memory_space<vmem_shared>>) offsets(%dma_start3A_141 : memref<80xi32, #tpu.memory_space<vmem>>) semaphore(%run_scoped3A_138 : memref<!tpu.dma_semaphore, #tpu.memory_space<semaphore_mem>>) {add = true}
        %dma_wait3A_145 = arith.constant 0 : i32
        %dma_wait3A_146 = tpu.memref_slice %arg6[%add3A_125, %dma_wait3A_145] : memref<64x80xi32, #tpu.memory_space<vmem>> -> memref<1x80xi32, #tpu.memory_space<vmem>>
        %dma_wait3A_147 = tpu.memref_squeeze %dma_wait3A_146 : memref<1x80xi32, #tpu.memory_space<vmem>> -> memref<80xi32, #tpu.memory_space<vmem>>
        %dma_wait3A_148 = arith.constant 0 : i32
        %dma_wait3A_149 = arith.constant 0 : i32
        %dma_wait3A_150 = tpu.memref_slice %arg9[%dma_wait3A_148, %dma_wait3A_149] : memref<10112x128xf32, #tpu.memory_space<vmem_shared>> -> memref<10112x128xf32, #tpu.memory_space<vmem_shared>>
        tpu.wait_indirect_dma semaphore(%run_scoped3A_138 : memref<!tpu.dma_semaphore, #tpu.memory_space<semaphore_mem>>) src(%arg8 : memref<80x128xf32, #tpu.memory_space<vmem>>) dst(%dma_wait3A_150 : memref<10112x128xf32, #tpu.memory_space<vmem_shared>>)
        tpu.yield
      }) : () -> ()
      %add3A_126 = arith.constant 2 : i32
      %add3A_127 = arith.addi %mul3A_94, %add3A_126 : i32
      %add3A_128 = arith.constant 1 : i32
      %add3A_129 = arith.addi %add3A_127, %add3A_128 : i32
      %min3A_130 = arith.constant 63 : i32
      %min3A_131 = arith.minsi %add3A_129, %min3A_130 : i32
      %dma_start3A_132 = arith.constant 0 : i32
      %dma_start3A_133 = tpu.memref_slice %arg5[%min3A_131, %dma_start3A_132] : memref<64x80xi32, #tpu.memory_space<vmem>> -> memref<1x80xi32, #tpu.memory_space<vmem>>
      %dma_start3A_134 = tpu.memref_squeeze %dma_start3A_133 : memref<1x80xi32, #tpu.memory_space<vmem>> -> memref<80xi32, #tpu.memory_space<vmem>>
      %dma_start3A_135 = arith.constant 0 : i32
      %dma_start3A_136 = arith.constant 0 : i32
      %dma_start3A_137 = tpu.memref_slice %arg3[%dma_start3A_135, %dma_start3A_136] : memref<10000x128xf32, #tpu.memory_space<hbm>> -> memref<10000x128xf32, #tpu.memory_space<hbm>>
      tpu.enqueue_indirect_dma source(%dma_start3A_137 : memref<10000x128xf32, #tpu.memory_space<hbm>>) target(%arg8 : memref<80x128xf32, #tpu.memory_space<vmem>>) offsets(%dma_start3A_134 : memref<80xi32, #tpu.memory_space<vmem>>) semaphore(%arg11 : memref<!tpu.dma_semaphore, #tpu.memory_space<semaphore_mem>>)
    }
    %scan3A_37 = arith.constant 32 : i32
    %dma_wait3A = arith.constant 63 : i32
    %dma_wait3A_38 = arith.constant 0 : i32
    %dma_wait3A_39 = tpu.memref_slice %arg5[%dma_wait3A, %dma_wait3A_38] : memref<64x80xi32, #tpu.memory_space<vmem>> -> memref<1x80xi32, #tpu.memory_space<vmem>>
    %dma_wait3A_40 = tpu.memref_squeeze %dma_wait3A_39 : memref<1x80xi32, #tpu.memory_space<vmem>> -> memref<80xi32, #tpu.memory_space<vmem>>
    %dma_wait3A_41 = arith.constant 0 : i32
    %dma_wait3A_42 = arith.constant 0 : i32
    %dma_wait3A_43 = tpu.memref_slice %arg3[%dma_wait3A_41, %dma_wait3A_42] : memref<10000x128xf32, #tpu.memory_space<hbm>> -> memref<10000x128xf32, #tpu.memory_space<hbm>>
    tpu.wait_indirect_dma semaphore(%arg10 : memref<!tpu.dma_semaphore, #tpu.memory_space<semaphore_mem>>) src(%dma_wait3A_43 : memref<10000x128xf32, #tpu.memory_space<hbm>>) dst(%arg7 : memref<80x128xf32, #tpu.memory_space<vmem>>)
    %dma_wait3A_44 = arith.constant 63 : i32
    %dma_wait3A_45 = arith.constant 0 : i32
    %dma_wait3A_46 = tpu.memref_slice %arg5[%dma_wait3A_44, %dma_wait3A_45] : memref<64x80xi32, #tpu.memory_space<vmem>> -> memref<1x80xi32, #tpu.memory_space<vmem>>
    %dma_wait3A_47 = tpu.memref_squeeze %dma_wait3A_46 : memref<1x80xi32, #tpu.memory_space<vmem>> -> memref<80xi32, #tpu.memory_space<vmem>>
    %dma_wait3A_48 = arith.constant 0 : i32
    %dma_wait3A_49 = arith.constant 0 : i32
    %dma_wait3A_50 = tpu.memref_slice %arg3[%dma_wait3A_48, %dma_wait3A_49] : memref<10000x128xf32, #tpu.memory_space<hbm>> -> memref<10000x128xf32, #tpu.memory_space<hbm>>
    tpu.wait_indirect_dma semaphore(%arg11 : memref<!tpu.dma_semaphore, #tpu.memory_space<semaphore_mem>>) src(%dma_wait3A_50 : memref<10000x128xf32, #tpu.memory_space<hbm>>) dst(%arg8 : memref<80x128xf32, #tpu.memory_space<vmem>>)
    %run_scoped3A_51 = arith.constant 1 : i32
    %run_scoped3A_52 = arith.constant 0 : i32
    "tpu.region"() ({
      %run_scoped3A_92 = tpu.sem_alloc : memref<!tpu.dma_semaphore, #tpu.memory_space<semaphore_mem>>
      %dma_start3A_93 = arith.constant 0 : i32
      %dma_start3A_94 = arith.constant 0 : i32
      %dma_start3A_95 = tpu.memref_slice %arg2[%add3A, %run_scoped3A_51, %run_scoped3A_52, %dma_start3A_93, %dma_start3A_94] : memref<32x2x2x64x80xi32, #tpu.memory_space<hbm>> -> memref<1x1x1x64x80xi32, #tpu.memory_space<hbm>>
      %dma_start3A_96 = tpu.memref_squeeze %dma_start3A_95 : memref<1x1x1x64x80xi32, #tpu.memory_space<hbm>> -> memref<64x80xi32, #tpu.memory_space<hbm>>
      %dma_start3A_97 = arith.constant 0 : i32
      %dma_start3A_98 = arith.constant 0 : i32
      %dma_start3A_99 = tpu.memref_slice %arg2[%add3A, %run_scoped3A_51, %run_scoped3A_52, %dma_start3A_97, %dma_start3A_98] : memref<32x2x2x64x80xi32, #tpu.memory_space<hbm>> -> memref<1x1x1x64x80xi32, #tpu.memory_space<hbm>>
      %dma_start3A_100 = tpu.memref_squeeze %dma_start3A_99 : memref<1x1x1x64x80xi32, #tpu.memory_space<hbm>> -> memref<64x80xi32, #tpu.memory_space<hbm>>
      tpu.enqueue_dma source(%dma_start3A_100 : memref<64x80xi32, #tpu.memory_space<hbm>>) target(%arg5 : memref<64x80xi32, #tpu.memory_space<vmem>>) target_semaphore(%run_scoped3A_92 : memref<!tpu.dma_semaphore, #tpu.memory_space<semaphore_mem>>)
      %dma_wait3A_101 = arith.constant 0 : i32
      %dma_wait3A_102 = arith.constant 0 : i32
      %dma_wait3A_103 = tpu.memref_slice %arg2[%add3A, %run_scoped3A_51, %run_scoped3A_52, %dma_wait3A_101, %dma_wait3A_102] : memref<32x2x2x64x80xi32, #tpu.memory_space<hbm>> -> memref<1x1x1x64x80xi32, #tpu.memory_space<hbm>>
      %dma_wait3A_104 = tpu.memref_squeeze %dma_wait3A_103 : memref<1x1x1x64x80xi32, #tpu.memory_space<hbm>> -> memref<64x80xi32, #tpu.memory_space<hbm>>
      %dma_wait3A_105 = arith.constant 0 : i32
      %dma_wait3A_106 = arith.constant 0 : i32
      %dma_wait3A_107 = tpu.memref_slice %arg2[%add3A, %run_scoped3A_51, %run_scoped3A_52, %dma_wait3A_105, %dma_wait3A_106] : memref<32x2x2x64x80xi32, #tpu.memory_space<hbm>> -> memref<1x1x1x64x80xi32, #tpu.memory_space<hbm>>
      %dma_wait3A_108 = tpu.memref_squeeze %dma_wait3A_107 : memref<1x1x1x64x80xi32, #tpu.memory_space<hbm>> -> memref<64x80xi32, #tpu.memory_space<hbm>>
      tpu.wait_dma2 semaphore(%run_scoped3A_92 : memref<!tpu.dma_semaphore, #tpu.memory_space<semaphore_mem>>) src(%dma_wait3A_108 : memref<64x80xi32, #tpu.memory_space<hbm>>) dst(%arg5 : memref<64x80xi32, #tpu.memory_space<vmem>>)
      tpu.yield
    }) : () -> ()
    %run_scoped3A_53 = arith.constant 1 : i32
    %run_scoped3A_54 = arith.constant 1 : i32
    "tpu.region"() ({
      %run_scoped3A_92 = tpu.sem_alloc : memref<!tpu.dma_semaphore, #tpu.memory_space<semaphore_mem>>
      %dma_start3A_93 = arith.constant 0 : i32
      %dma_start3A_94 = arith.constant 0 : i32
      %dma_start3A_95 = tpu.memref_slice %arg2[%add3A, %run_scoped3A_53, %run_scoped3A_54, %dma_start3A_93, %dma_start3A_94] : memref<32x2x2x64x80xi32, #tpu.memory_space<hbm>> -> memref<1x1x1x64x80xi32, #tpu.memory_space<hbm>>
      %dma_start3A_96 = tpu.memref_squeeze %dma_start3A_95 : memref<1x1x1x64x80xi32, #tpu.memory_space<hbm>> -> memref<64x80xi32, #tpu.memory_space<hbm>>
      %dma_start3A_97 = arith.constant 0 : i32
      %dma_start3A_98 = arith.constant 0 : i32
      %dma_start3A_99 = tpu.memref_slice %arg2[%add3A, %run_scoped3A_53, %run_scoped3A_54, %dma_start3A_97, %dma_start3A_98] : memref<32x2x2x64x80xi32, #tpu.memory_space<hbm>> -> memref<1x1x1x64x80xi32, #tpu.memory_space<hbm>>
      %dma_start3A_100 = tpu.memref_squeeze %dma_start3A_99 : memref<1x1x1x64x80xi32, #tpu.memory_space<hbm>> -> memref<64x80xi32, #tpu.memory_space<hbm>>
      tpu.enqueue_dma source(%dma_start3A_100 : memref<64x80xi32, #tpu.memory_space<hbm>>) target(%arg6 : memref<64x80xi32, #tpu.memory_space<vmem>>) target_semaphore(%run_scoped3A_92 : memref<!tpu.dma_semaphore, #tpu.memory_space<semaphore_mem>>)
      %dma_wait3A_101 = arith.constant 0 : i32
      %dma_wait3A_102 = arith.constant 0 : i32
      %dma_wait3A_103 = tpu.memref_slice %arg2[%add3A, %run_scoped3A_53, %run_scoped3A_54, %dma_wait3A_101, %dma_wait3A_102] : memref<32x2x2x64x80xi32, #tpu.memory_space<hbm>> -> memref<1x1x1x64x80xi32, #tpu.memory_space<hbm>>
      %dma_wait3A_104 = tpu.memref_squeeze %dma_wait3A_103 : memref<1x1x1x64x80xi32, #tpu.memory_space<hbm>> -> memref<64x80xi32, #tpu.memory_space<hbm>>
      %dma_wait3A_105 = arith.constant 0 : i32
      %dma_wait3A_106 = arith.constant 0 : i32
      %dma_wait3A_107 = tpu.memref_slice %arg2[%add3A, %run_scoped3A_53, %run_scoped3A_54, %dma_wait3A_105, %dma_wait3A_106] : memref<32x2x2x64x80xi32, #tpu.memory_space<hbm>> -> memref<1x1x1x64x80xi32, #tpu.memory_space<hbm>>
      %dma_wait3A_108 = tpu.memref_squeeze %dma_wait3A_107 : memref<1x1x1x64x80xi32, #tpu.memory_space<hbm>> -> memref<64x80xi32, #tpu.memory_space<hbm>>
      tpu.wait_dma2 semaphore(%run_scoped3A_92 : memref<!tpu.dma_semaphore, #tpu.memory_space<semaphore_mem>>) src(%dma_wait3A_108 : memref<64x80xi32, #tpu.memory_space<hbm>>) dst(%arg6 : memref<64x80xi32, #tpu.memory_space<vmem>>)
      tpu.yield
    }) : () -> ()
    %dma_start3A_55 = arith.constant 0 : i32
    %dma_start3A_56 = arith.constant 0 : i32
    %dma_start3A_57 = tpu.memref_slice %arg5[%dma_start3A_55, %dma_start3A_56] : memref<64x80xi32, #tpu.memory_space<vmem>> -> memref<1x80xi32, #tpu.memory_space<vmem>>
    %dma_start3A_58 = tpu.memref_squeeze %dma_start3A_57 : memref<1x80xi32, #tpu.memory_space<vmem>> -> memref<80xi32, #tpu.memory_space<vmem>>
    %dma_start3A_59 = arith.constant 0 : i32
    %dma_start3A_60 = arith.constant 0 : i32
    %dma_start3A_61 = tpu.memref_slice %arg3[%dma_start3A_59, %dma_start3A_60] : memref<10000x128xf32, #tpu.memory_space<hbm>> -> memref<10000x128xf32, #tpu.memory_space<hbm>>
    tpu.enqueue_indirect_dma source(%dma_start3A_61 : memref<10000x128xf32, #tpu.memory_space<hbm>>) target(%arg7 : memref<80x128xf32, #tpu.memory_space<vmem>>) offsets(%dma_start3A_58 : memref<80xi32, #tpu.memory_space<vmem>>) semaphore(%arg10 : memref<!tpu.dma_semaphore, #tpu.memory_space<semaphore_mem>>)
    %dma_start3A_62 = arith.constant 1 : i32
    %dma_start3A_63 = arith.constant 0 : i32
    %dma_start3A_64 = tpu.memref_slice %arg5[%dma_start3A_62, %dma_start3A_63] : memref<64x80xi32, #tpu.memory_space<vmem>> -> memref<1x80xi32, #tpu.memory_space<vmem>>
    %dma_start3A_65 = tpu.memref_squeeze %dma_start3A_64 : memref<1x80xi32, #tpu.memory_space<vmem>> -> memref<80xi32, #tpu.memory_space<vmem>>
    %dma_start3A_66 = arith.constant 0 : i32
    %dma_start3A_67 = arith.constant 0 : i32
    %dma_start3A_68 = tpu.memref_slice %arg3[%dma_start3A_66, %dma_start3A_67] : memref<10000x128xf32, #tpu.memory_space<hbm>> -> memref<10000x128xf32, #tpu.memory_space<hbm>>
    tpu.enqueue_indirect_dma source(%dma_start3A_68 : memref<10000x128xf32, #tpu.memory_space<hbm>>) target(%arg8 : memref<80x128xf32, #tpu.memory_space<vmem>>) offsets(%dma_start3A_65 : memref<80xi32, #tpu.memory_space<vmem>>) semaphore(%arg11 : memref<!tpu.dma_semaphore, #tpu.memory_space<semaphore_mem>>)
    %scan3A_69 = arith.constant 0 : i32
    %scan3A_70 = arith.constant 0 : i32
    %scan3A_71 = arith.constant 32 : i32
    %scan3A_72 = arith.addi %scan3A_70, %scan3A_71 : i32
    %scan3A_73 = arith.constant 1 : i32
    scf.for %scan3A_92 = %scan3A_70 to %scan3A_72 step %scan3A_73  : i32 {
      %mul3A_93 = arith.constant 2 : i32
      %mul3A_94 = arith.muli %scan3A_92, %mul3A_93 : i32
      %add3A_95 = arith.constant 0 : i32
      %add3A_96 = arith.addi %mul3A_94, %add3A_95 : i32
      %dma_wait3A_97 = arith.constant 0 : i32
      %dma_wait3A_98 = tpu.memref_slice %arg5[%add3A_96, %dma_wait3A_97] : memref<64x80xi32, #tpu.memory_space<vmem>> -> memref<1x80xi32, #tpu.memory_space<vmem>>
      %dma_wait3A_99 = tpu.memref_squeeze %dma_wait3A_98 : memref<1x80xi32, #tpu.memory_space<vmem>> -> memref<80xi32, #tpu.memory_space<vmem>>
      %dma_wait3A_100 = arith.constant 0 : i32
      %dma_wait3A_101 = arith.constant 0 : i32
      %dma_wait3A_102 = tpu.memref_slice %arg3[%dma_wait3A_100, %dma_wait3A_101] : memref<10000x128xf32, #tpu.memory_space<hbm>> -> memref<10000x128xf32, #tpu.memory_space<hbm>>
      tpu.wait_indirect_dma semaphore(%arg10 : memref<!tpu.dma_semaphore, #tpu.memory_space<semaphore_mem>>) src(%dma_wait3A_102 : memref<10000x128xf32, #tpu.memory_space<hbm>>) dst(%arg7 : memref<80x128xf32, #tpu.memory_space<vmem>>)
      %add3A_103 = arith.constant 0 : i32
      %add3A_104 = arith.addi %mul3A_94, %add3A_103 : i32
      "tpu.region"() ({
        %run_scoped3A_138 = tpu.sem_alloc : memref<!tpu.dma_semaphore, #tpu.memory_space<semaphore_mem>>
        %dma_start3A_139 = arith.constant 0 : i32
        %dma_start3A_140 = tpu.memref_slice %arg6[%add3A_104, %dma_start3A_139] : memref<64x80xi32, #tpu.memory_space<vmem>> -> memref<1x80xi32, #tpu.memory_space<vmem>>
        %dma_start3A_141 = tpu.memref_squeeze %dma_start3A_140 : memref<1x80xi32, #tpu.memory_space<vmem>> -> memref<80xi32, #tpu.memory_space<vmem>>
        %dma_start3A_142 = arith.constant 0 : i32
        %dma_start3A_143 = arith.constant 0 : i32
        %dma_start3A_144 = tpu.memref_slice %arg9[%dma_start3A_142, %dma_start3A_143] : memref<10112x128xf32, #tpu.memory_space<vmem_shared>> -> memref<10112x128xf32, #tpu.memory_space<vmem_shared>>
        tpu.enqueue_indirect_dma source(%arg7 : memref<80x128xf32, #tpu.memory_space<vmem>>) target(%dma_start3A_144 : memref<10112x128xf32, #tpu.memory_space<vmem_shared>>) offsets(%dma_start3A_141 : memref<80xi32, #tpu.memory_space<vmem>>) semaphore(%run_scoped3A_138 : memref<!tpu.dma_semaphore, #tpu.memory_space<semaphore_mem>>) {add = true}
        %dma_wait3A_145 = arith.constant 0 : i32
        %dma_wait3A_146 = tpu.memref_slice %arg6[%add3A_104, %dma_wait3A_145] : memref<64x80xi32, #tpu.memory_space<vmem>> -> memref<1x80xi32, #tpu.memory_space<vmem>>
        %dma_wait3A_147 = tpu.memref_squeeze %dma_wait3A_146 : memref<1x80xi32, #tpu.memory_space<vmem>> -> memref<80xi32, #tpu.memory_space<vmem>>
        %dma_wait3A_148 = arith.constant 0 : i32
        %dma_wait3A_149 = arith.constant 0 : i32
        %dma_wait3A_150 = tpu.memref_slice %arg9[%dma_wait3A_148, %dma_wait3A_149] : memref<10112x128xf32, #tpu.memory_space<vmem_shared>> -> memref<10112x128xf32, #tpu.memory_space<vmem_shared>>
        tpu.wait_indirect_dma semaphore(%run_scoped3A_138 : memref<!tpu.dma_semaphore, #tpu.memory_space<semaphore_mem>>) src(%arg7 : memref<80x128xf32, #tpu.memory_space<vmem>>) dst(%dma_wait3A_150 : memref<10112x128xf32, #tpu.memory_space<vmem_shared>>)
        tpu.yield
      }) : () -> ()
      %add3A_105 = arith.constant 2 : i32
      %add3A_106 = arith.addi %mul3A_94, %add3A_105 : i32
      %add3A_107 = arith.constant 0 : i32
      %add3A_108 = arith.addi %add3A_106, %add3A_107 : i32
      %min3A = arith.constant 63 : i32
      %min3A_109 = arith.minsi %add3A_108, %min3A : i32
      %dma_start3A_110 = arith.constant 0 : i32
      %dma_start3A_111 = tpu.memref_slice %arg5[%min3A_109, %dma_start3A_110] : memref<64x80xi32, #tpu.memory_space<vmem>> -> memref<1x80xi32, #tpu.memory_space<vmem>>
      %dma_start3A_112 = tpu.memref_squeeze %dma_start3A_111 : memref<1x80xi32, #tpu.memory_space<vmem>> -> memref<80xi32, #tpu.memory_space<vmem>>
      %dma_start3A_113 = arith.constant 0 : i32
      %dma_start3A_114 = arith.constant 0 : i32
      %dma_start3A_115 = tpu.memref_slice %arg3[%dma_start3A_113, %dma_start3A_114] : memref<10000x128xf32, #tpu.memory_space<hbm>> -> memref<10000x128xf32, #tpu.memory_space<hbm>>
      tpu.enqueue_indirect_dma source(%dma_start3A_115 : memref<10000x128xf32, #tpu.memory_space<hbm>>) target(%arg7 : memref<80x128xf32, #tpu.memory_space<vmem>>) offsets(%dma_start3A_112 : memref<80xi32, #tpu.memory_space<vmem>>) semaphore(%arg10 : memref<!tpu.dma_semaphore, #tpu.memory_space<semaphore_mem>>)
      %add3A_116 = arith.constant 1 : i32
      %add3A_117 = arith.addi %mul3A_94, %add3A_116 : i32
      %dma_wait3A_118 = arith.constant 0 : i32
      %dma_wait3A_119 = tpu.memref_slice %arg5[%add3A_117, %dma_wait3A_118] : memref<64x80xi32, #tpu.memory_space<vmem>> -> memref<1x80xi32, #tpu.memory_space<vmem>>
      %dma_wait3A_120 = tpu.memref_squeeze %dma_wait3A_119 : memref<1x80xi32, #tpu.memory_space<vmem>> -> memref<80xi32, #tpu.memory_space<vmem>>
      %dma_wait3A_121 = arith.constant 0 : i32
      %dma_wait3A_122 = arith.constant 0 : i32
      %dma_wait3A_123 = tpu.memref_slice %arg3[%dma_wait3A_121, %dma_wait3A_122] : memref<10000x128xf32, #tpu.memory_space<hbm>> -> memref<10000x128xf32, #tpu.memory_space<hbm>>
      tpu.wait_indirect_dma semaphore(%arg11 : memref<!tpu.dma_semaphore, #tpu.memory_space<semaphore_mem>>) src(%dma_wait3A_123 : memref<10000x128xf32, #tpu.memory_space<hbm>>) dst(%arg8 : memref<80x128xf32, #tpu.memory_space<vmem>>)
      %add3A_124 = arith.constant 1 : i32
      %add3A_125 = arith.addi %mul3A_94, %add3A_124 : i32
      "tpu.region"() ({
        %run_scoped3A_138 = tpu.sem_alloc : memref<!tpu.dma_semaphore, #tpu.memory_space<semaphore_mem>>
        %dma_start3A_139 = arith.constant 0 : i32
        %dma_start3A_140 = tpu.memref_slice %arg6[%add3A_125, %dma_start3A_139] : memref<64x80xi32, #tpu.memory_space<vmem>> -> memref<1x80xi32, #tpu.memory_space<vmem>>
        %dma_start3A_141 = tpu.memref_squeeze %dma_start3A_140 : memref<1x80xi32, #tpu.memory_space<vmem>> -> memref<80xi32, #tpu.memory_space<vmem>>
        %dma_start3A_142 = arith.constant 0 : i32
        %dma_start3A_143 = arith.constant 0 : i32
        %dma_start3A_144 = tpu.memref_slice %arg9[%dma_start3A_142, %dma_start3A_143] : memref<10112x128xf32, #tpu.memory_space<vmem_shared>> -> memref<10112x128xf32, #tpu.memory_space<vmem_shared>>
        tpu.enqueue_indirect_dma source(%arg8 : memref<80x128xf32, #tpu.memory_space<vmem>>) target(%dma_start3A_144 : memref<10112x128xf32, #tpu.memory_space<vmem_shared>>) offsets(%dma_start3A_141 : memref<80xi32, #tpu.memory_space<vmem>>) semaphore(%run_scoped3A_138 : memref<!tpu.dma_semaphore, #tpu.memory_space<semaphore_mem>>) {add = true}
        %dma_wait3A_145 = arith.constant 0 : i32
        %dma_wait3A_146 = tpu.memref_slice %arg6[%add3A_125, %dma_wait3A_145] : memref<64x80xi32, #tpu.memory_space<vmem>> -> memref<1x80xi32, #tpu.memory_space<vmem>>
        %dma_wait3A_147 = tpu.memref_squeeze %dma_wait3A_146 : memref<1x80xi32, #tpu.memory_space<vmem>> -> memref<80xi32, #tpu.memory_space<vmem>>
        %dma_wait3A_148 = arith.constant 0 : i32
        %dma_wait3A_149 = arith.constant 0 : i32
        %dma_wait3A_150 = tpu.memref_slice %arg9[%dma_wait3A_148, %dma_wait3A_149] : memref<10112x128xf32, #tpu.memory_space<vmem_shared>> -> memref<10112x128xf32, #tpu.memory_space<vmem_shared>>
        tpu.wait_indirect_dma semaphore(%run_scoped3A_138 : memref<!tpu.dma_semaphore, #tpu.memory_space<semaphore_mem>>) src(%arg8 : memref<80x128xf32, #tpu.memory_space<vmem>>) dst(%dma_wait3A_150 : memref<10112x128xf32, #tpu.memory_space<vmem_shared>>)
        tpu.yield
      }) : () -> ()
      %add3A_126 = arith.constant 2 : i32
      %add3A_127 = arith.addi %mul3A_94, %add3A_126 : i32
      %add3A_128 = arith.constant 1 : i32
      %add3A_129 = arith.addi %add3A_127, %add3A_128 : i32
      %min3A_130 = arith.constant 63 : i32
      %min3A_131 = arith.minsi %add3A_129, %min3A_130 : i32
      %dma_start3A_132 = arith.constant 0 : i32
      %dma_start3A_133 = tpu.memref_slice %arg5[%min3A_131, %dma_start3A_132] : memref<64x80xi32, #tpu.memory_space<vmem>> -> memref<1x80xi32, #tpu.memory_space<vmem>>
      %dma_start3A_134 = tpu.memref_squeeze %dma_start3A_133 : memref<1x80xi32, #tpu.memory_space<vmem>> -> memref<80xi32, #tpu.memory_space<vmem>>
      %dma_start3A_135 = arith.constant 0 : i32
      %dma_start3A_136 = arith.constant 0 : i32
      %dma_start3A_137 = tpu.memref_slice %arg3[%dma_start3A_135, %dma_start3A_136] : memref<10000x128xf32, #tpu.memory_space<hbm>> -> memref<10000x128xf32, #tpu.memory_space<hbm>>
      tpu.enqueue_indirect_dma source(%dma_start3A_137 : memref<10000x128xf32, #tpu.memory_space<hbm>>) target(%arg8 : memref<80x128xf32, #tpu.memory_space<vmem>>) offsets(%dma_start3A_134 : memref<80xi32, #tpu.memory_space<vmem>>) semaphore(%arg11 : memref<!tpu.dma_semaphore, #tpu.memory_space<semaphore_mem>>)
    }
    %scan3A_74 = arith.constant 32 : i32
    %dma_wait3A_75 = arith.constant 63 : i32
    %dma_wait3A_76 = arith.constant 0 : i32
    %dma_wait3A_77 = tpu.memref_slice %arg5[%dma_wait3A_75, %dma_wait3A_76] : memref<64x80xi32, #tpu.memory_space<vmem>> -> memref<1x80xi32, #tpu.memory_space<vmem>>
    %dma_wait3A_78 = tpu.memref_squeeze %dma_wait3A_77 : memref<1x80xi32, #tpu.memory_space<vmem>> -> memref<80xi32, #tpu.memory_space<vmem>>
    %dma_wait3A_79 = arith.constant 0 : i32
    %dma_wait3A_80 = arith.constant 0 : i32
    %dma_wait3A_81 = tpu.memref_slice %arg3[%dma_wait3A_79, %dma_wait3A_80] : memref<10000x128xf32, #tpu.memory_space<hbm>> -> memref<10000x128xf32, #tpu.memory_space<hbm>>
    tpu.wait_indirect_dma semaphore(%arg10 : memref<!tpu.dma_semaphore, #tpu.memory_space<semaphore_mem>>) src(%dma_wait3A_81 : memref<10000x128xf32, #tpu.memory_space<hbm>>) dst(%arg7 : memref<80x128xf32, #tpu.memory_space<vmem>>)
    %dma_wait3A_82 = arith.constant 63 : i32
    %dma_wait3A_83 = arith.constant 0 : i32
    %dma_wait3A_84 = tpu.memref_slice %arg5[%dma_wait3A_82, %dma_wait3A_83] : memref<64x80xi32, #tpu.memory_space<vmem>> -> memref<1x80xi32, #tpu.memory_space<vmem>>
    %dma_wait3A_85 = tpu.memref_squeeze %dma_wait3A_84 : memref<1x80xi32, #tpu.memory_space<vmem>> -> memref<80xi32, #tpu.memory_space<vmem>>
    %dma_wait3A_86 = arith.constant 0 : i32
    %dma_wait3A_87 = arith.constant 0 : i32
    %dma_wait3A_88 = tpu.memref_slice %arg3[%dma_wait3A_86, %dma_wait3A_87] : memref<10000x128xf32, #tpu.memory_space<hbm>> -> memref<10000x128xf32, #tpu.memory_space<hbm>>
    tpu.wait_indirect_dma semaphore(%arg11 : memref<!tpu.dma_semaphore, #tpu.memory_space<semaphore_mem>>) src(%dma_wait3A_88 : memref<10000x128xf32, #tpu.memory_space<hbm>>) dst(%arg8 : memref<80x128xf32, #tpu.memory_space<vmem>>)
    %barrier3A_89 = arith.constant 0 : index
    tpu.barrier barrier_id(%barrier3A_89)
    %mul3A_90 = arith.constant 632 : i32
    %mul3A_91 = arith.muli %arg1, %mul3A_90 : i32
    "tpu.region"() ({
      %run_scoped3A_92 = tpu.sem_alloc : memref<!tpu.dma_semaphore, #tpu.memory_space<semaphore_mem>>
      %dma_start3A_93 = arith.constant 0 : i32
      %dma_start3A_94 = tpu.memref_slice %arg4[%arg0, %mul3A_91, %dma_start3A_93] : memref<2x10112x128xf32, #tpu.memory_space<hbm>> -> memref<1x632x128xf32, #tpu.memory_space<hbm>>
      %dma_start3A_95 = tpu.memref_squeeze %dma_start3A_94 : memref<1x632x128xf32, #tpu.memory_space<hbm>> -> memref<632x128xf32, #tpu.memory_space<hbm>>
      %dma_start3A_96 = arith.constant 0 : i32
      %dma_start3A_97 = tpu.memref_slice %arg9[%mul3A_91, %dma_start3A_96] : memref<10112x128xf32, #tpu.memory_space<vmem_shared>> -> memref<632x128xf32, #tpu.memory_space<vmem_shared>>
      tpu.enqueue_dma source(%dma_start3A_97 : memref<632x128xf32, #tpu.memory_space<vmem_shared>>) target(%dma_start3A_95 : memref<632x128xf32, #tpu.memory_space<hbm>>) target_semaphore(%run_scoped3A_92 : memref<!tpu.dma_semaphore, #tpu.memory_space<semaphore_mem>>)
      %dma_wait3A_98 = arith.constant 0 : i32
      %dma_wait3A_99 = tpu.memref_slice %arg4[%arg0, %mul3A_91, %dma_wait3A_98] : memref<2x10112x128xf32, #tpu.memory_space<hbm>> -> memref<1x632x128xf32, #tpu.memory_space<hbm>>
      %dma_wait3A_100 = tpu.memref_squeeze %dma_wait3A_99 : memref<1x632x128xf32, #tpu.memory_space<hbm>> -> memref<632x128xf32, #tpu.memory_space<hbm>>
      %dma_wait3A_101 = arith.constant 0 : i32
      %dma_wait3A_102 = tpu.memref_slice %arg9[%mul3A_91, %dma_wait3A_101] : memref<10112x128xf32, #tpu.memory_space<vmem_shared>> -> memref<632x128xf32, #tpu.memory_space<vmem_shared>>
      tpu.wait_dma2 semaphore(%run_scoped3A_92 : memref<!tpu.dma_semaphore, #tpu.memory_space<semaphore_mem>>) src(%dma_wait3A_102 : memref<632x128xf32, #tpu.memory_space<vmem_shared>>) dst(%dma_wait3A_100 : memref<632x128xf32, #tpu.memory_space<hbm>>)
      tpu.yield
    }) : () -> ()
    return
  }
}

#map = affine_map<(d0, d1) -> (0, 0, 0)>
#map1 = affine_map<(d0, d1) -> (0, 0)>
module attributes {stable_mosaic.version = 14 : i64} {
  func.func @k(%arg0: i32, %arg1: i32, %arg2: memref<32x128x80xi32, #tpu.memory_space<hbm>>, %arg3: memref<2x10240xf32, #tpu.memory_space<hbm>>, %arg4: memref<128x80xi32, #tpu.memory_space<vmem>>, %arg5: memref<80xf32, #tpu.memory_space<vmem>>, %arg6: memref<640xf32, #tpu.memory_space<vmem>>, %arg7: memref<10240xf32, #tpu.memory_space<vmem_shared>>) attributes {dimension_semantics = [#tpu.dimension_semantics<core_parallel>, #tpu.dimension_semantics<subcore_parallel>], iteration_bounds = array<i64: 2, 16>, scalar_prefetch = 0 : i64, scratch_operands = 4 : i64, tpu.core_type = #tpu.core_type<sc_vector_subcore>, window_params = [{transform_indices = #map}, {transform_indices = #map1}]} {
    %mul3A = arith.constant 2 : i32
    %mul3A_0 = arith.muli %arg1, %mul3A : i32
    %add3A = arith.addi %mul3A_0, %arg0 : i32
    %scan3A = arith.constant 0 : i32
    %scan3A_1 = arith.constant 0 : i32
    %scan3A_2 = arith.constant 40 : i32
    %scan3A_3 = arith.addi %scan3A_1, %scan3A_2 : i32
    %scan3A_4 = arith.constant 1 : i32
    scf.for %scan3A_25 = %scan3A_1 to %scan3A_3 step %scan3A_4  : i32 {
      %broadcast_in_dim3A = arith.constant 0.000000e+00 : f32
      %broadcast_in_dim3A_26 = vector.broadcast %broadcast_in_dim3A : f32 to vector<16xf32>
      %mul3A_27 = arith.constant 16 : i32
      %mul3A_28 = arith.muli %scan3A_25, %mul3A_27 : i32
      %swap3A = arith.index_cast %mul3A_28 : i32 to index
      %swap3A_29 = tpu.vector_load %arg6[%swap3A] {strides = array<i32>} : memref<640xf32, #tpu.memory_space<vmem>>, vector<16xf32>,
      %swap3A_30 = vector.shape_cast %swap3A_29 : vector<16xf32> to vector<16xf32>
      %swap3A_31 = vector.shape_cast %broadcast_in_dim3A_26 : vector<16xf32> to vector<16xf32>
      tpu.vector_store %arg6[%swap3A], %swap3A_31 {strides = array<i32>} : memref<640xf32, #tpu.memory_space<vmem>>, vector<16xf32>,
    }
    %scan3A_5 = arith.constant 40 : i32
    %scan3A_6 = arith.constant 0 : i32
    %scan3A_7 = arith.constant 0 : i32
    %scan3A_8 = arith.constant 5 : i32
    %scan3A_9 = arith.addi %scan3A_7, %scan3A_8 : i32
    %scan3A_10 = arith.constant 1 : i32
    scf.for %scan3A_25 = %scan3A_7 to %scan3A_9 step %scan3A_10  : i32 {
      %broadcast_in_dim3A = arith.constant 1.000000e+00 : f32
      %broadcast_in_dim3A_26 = vector.broadcast %broadcast_in_dim3A : f32 to vector<16xf32>
      %mul3A_27 = arith.constant 16 : i32
      %mul3A_28 = arith.muli %scan3A_25, %mul3A_27 : i32
      %swap3A = arith.index_cast %mul3A_28 : i32 to index
      %swap3A_29 = tpu.vector_load %arg5[%swap3A] {strides = array<i32>} : memref<80xf32, #tpu.memory_space<vmem>>, vector<16xf32>,
      %swap3A_30 = vector.shape_cast %swap3A_29 : vector<16xf32> to vector<16xf32>
      %swap3A_31 = vector.shape_cast %broadcast_in_dim3A_26 : vector<16xf32> to vector<16xf32>
      tpu.vector_store %arg5[%swap3A], %swap3A_31 {strides = array<i32>} : memref<80xf32, #tpu.memory_space<vmem>>, vector<16xf32>,
    }
    %scan3A_11 = arith.constant 5 : i32
    %mul3A_12 = arith.constant 640 : i32
    %mul3A_13 = arith.muli %arg1, %mul3A_12 : i32
    "tpu.region"() ({
      %run_scoped3A = tpu.sem_alloc : memref<!tpu.dma_semaphore, #tpu.memory_space<semaphore_mem>>
      %dma_start3A = tpu.memref_slice %arg7[%mul3A_13] : memref<10240xf32, #tpu.memory_space<vmem_shared>> -> memref<640xf32, #tpu.memory_space<vmem_shared>>
      %dma_start3A_25 = tpu.memref_slice %arg7[%mul3A_13] : memref<10240xf32, #tpu.memory_space<vmem_shared>> -> memref<640xf32, #tpu.memory_space<vmem_shared>>
      tpu.enqueue_dma source(%arg6 : memref<640xf32, #tpu.memory_space<vmem>>) target(%dma_start3A_25 : memref<640xf32, #tpu.memory_space<vmem_shared>>) target_semaphore(%run_scoped3A : memref<!tpu.dma_semaphore, #tpu.memory_space<semaphore_mem>>)
      %dma_wait3A = tpu.memref_slice %arg7[%mul3A_13] : memref<10240xf32, #tpu.memory_space<vmem_shared>> -> memref<640xf32, #tpu.memory_space<vmem_shared>>
      %dma_wait3A_26 = tpu.memref_slice %arg7[%mul3A_13] : memref<10240xf32, #tpu.memory_space<vmem_shared>> -> memref<640xf32, #tpu.memory_space<vmem_shared>>
      tpu.wait_dma2 semaphore(%run_scoped3A : memref<!tpu.dma_semaphore, #tpu.memory_space<semaphore_mem>>) src(%arg6 : memref<640xf32, #tpu.memory_space<vmem>>) dst(%dma_wait3A_26 : memref<640xf32, #tpu.memory_space<vmem_shared>>)
      tpu.yield
    }) : () -> ()
    %barrier3A = arith.constant 0 : index
    tpu.barrier barrier_id(%barrier3A)
    "tpu.region"() ({
      %run_scoped3A = tpu.sem_alloc : memref<!tpu.dma_semaphore, #tpu.memory_space<semaphore_mem>>
      %dma_start3A = arith.constant 0 : i32
      %dma_start3A_25 = arith.constant 0 : i32
      %dma_start3A_26 = tpu.memref_slice %arg2[%add3A, %dma_start3A, %dma_start3A_25] : memref<32x128x80xi32, #tpu.memory_space<hbm>> -> memref<1x128x80xi32, #tpu.memory_space<hbm>>
      %dma_start3A_27 = tpu.memref_squeeze %dma_start3A_26 : memref<1x128x80xi32, #tpu.memory_space<hbm>> -> memref<128x80xi32, #tpu.memory_space<hbm>>
      %dma_start3A_28 = arith.constant 0 : i32
      %dma_start3A_29 = arith.constant 0 : i32
      %dma_start3A_30 = tpu.memref_slice %arg2[%add3A, %dma_start3A_28, %dma_start3A_29] : memref<32x128x80xi32, #tpu.memory_space<hbm>> -> memref<1x128x80xi32, #tpu.memory_space<hbm>>
      %dma_start3A_31 = tpu.memref_squeeze %dma_start3A_30 : memref<1x128x80xi32, #tpu.memory_space<hbm>> -> memref<128x80xi32, #tpu.memory_space<hbm>>
      tpu.enqueue_dma source(%dma_start3A_31 : memref<128x80xi32, #tpu.memory_space<hbm>>) target(%arg4 : memref<128x80xi32, #tpu.memory_space<vmem>>) target_semaphore(%run_scoped3A : memref<!tpu.dma_semaphore, #tpu.memory_space<semaphore_mem>>)
      %dma_wait3A = arith.constant 0 : i32
      %dma_wait3A_32 = arith.constant 0 : i32
      %dma_wait3A_33 = tpu.memref_slice %arg2[%add3A, %dma_wait3A, %dma_wait3A_32] : memref<32x128x80xi32, #tpu.memory_space<hbm>> -> memref<1x128x80xi32, #tpu.memory_space<hbm>>
      %dma_wait3A_34 = tpu.memref_squeeze %dma_wait3A_33 : memref<1x128x80xi32, #tpu.memory_space<hbm>> -> memref<128x80xi32, #tpu.memory_space<hbm>>
      %dma_wait3A_35 = arith.constant 0 : i32
      %dma_wait3A_36 = arith.constant 0 : i32
      %dma_wait3A_37 = tpu.memref_slice %arg2[%add3A, %dma_wait3A_35, %dma_wait3A_36] : memref<32x128x80xi32, #tpu.memory_space<hbm>> -> memref<1x128x80xi32, #tpu.memory_space<hbm>>
      %dma_wait3A_38 = tpu.memref_squeeze %dma_wait3A_37 : memref<1x128x80xi32, #tpu.memory_space<hbm>> -> memref<128x80xi32, #tpu.memory_space<hbm>>
      tpu.wait_dma2 semaphore(%run_scoped3A : memref<!tpu.dma_semaphore, #tpu.memory_space<semaphore_mem>>) src(%dma_wait3A_38 : memref<128x80xi32, #tpu.memory_space<hbm>>) dst(%arg4 : memref<128x80xi32, #tpu.memory_space<vmem>>)
      tpu.yield
    }) : () -> ()
    %scan3A_14 = arith.constant 0 : i32
    %scan3A_15 = arith.constant 0 : i32
    %scan3A_16 = arith.constant 128 : i32
    %scan3A_17 = arith.addi %scan3A_15, %scan3A_16 : i32
    %scan3A_18 = arith.constant 1 : i32
    scf.for %scan3A_25 = %scan3A_15 to %scan3A_17 step %scan3A_18  : i32 {
      "tpu.region"() ({
        %run_scoped3A = tpu.sem_alloc : memref<!tpu.dma_semaphore, #tpu.memory_space<semaphore_mem>>
        %dma_start3A = arith.constant 0 : i32
        %dma_start3A_26 = tpu.memref_slice %arg4[%scan3A_25, %dma_start3A] : memref<128x80xi32, #tpu.memory_space<vmem>> -> memref<1x80xi32, #tpu.memory_space<vmem>>
        %dma_start3A_27 = tpu.memref_squeeze %dma_start3A_26 : memref<1x80xi32, #tpu.memory_space<vmem>> -> memref<80xi32, #tpu.memory_space<vmem>>
        %dma_start3A_28 = arith.constant 0 : i32
        %dma_start3A_29 = tpu.memref_slice %arg7[%dma_start3A_28] : memref<10240xf32, #tpu.memory_space<vmem_shared>> -> memref<10240xf32, #tpu.memory_space<vmem_shared>>
        tpu.enqueue_indirect_dma source(%arg5 : memref<80xf32, #tpu.memory_space<vmem>>) target(%dma_start3A_29 : memref<10240xf32, #tpu.memory_space<vmem_shared>>) offsets(%dma_start3A_27 : memref<80xi32, #tpu.memory_space<vmem>>) semaphore(%run_scoped3A : memref<!tpu.dma_semaphore, #tpu.memory_space<semaphore_mem>>) {add = true}
        %dma_wait3A = arith.constant 0 : i32
        %dma_wait3A_30 = tpu.memref_slice %arg4[%scan3A_25, %dma_wait3A] : memref<128x80xi32, #tpu.memory_space<vmem>> -> memref<1x80xi32, #tpu.memory_space<vmem>>
        %dma_wait3A_31 = tpu.memref_squeeze %dma_wait3A_30 : memref<1x80xi32, #tpu.memory_space<vmem>> -> memref<80xi32, #tpu.memory_space<vmem>>
        %dma_wait3A_32 = arith.constant 0 : i32
        %dma_wait3A_33 = tpu.memref_slice %arg7[%dma_wait3A_32] : memref<10240xf32, #tpu.memory_space<vmem_shared>> -> memref<10240xf32, #tpu.memory_space<vmem_shared>>
        tpu.wait_indirect_dma semaphore(%run_scoped3A : memref<!tpu.dma_semaphore, #tpu.memory_space<semaphore_mem>>) src(%arg5 : memref<80xf32, #tpu.memory_space<vmem>>) dst(%dma_wait3A_33 : memref<10240xf32, #tpu.memory_space<vmem_shared>>)
        tpu.yield
      }) : () -> ()
    }
    %scan3A_19 = arith.constant 128 : i32
    %barrier3A_20 = arith.constant 0 : index
    tpu.barrier barrier_id(%barrier3A_20)
    %mul3A_21 = arith.constant 640 : i32
    %mul3A_22 = arith.muli %arg1, %mul3A_21 : i32
    %mul3A_23 = arith.constant 640 : i32
    %mul3A_24 = arith.muli %arg1, %mul3A_23 : i32
    "tpu.region"() ({
      %run_scoped3A = tpu.sem_alloc : memref<!tpu.dma_semaphore, #tpu.memory_space<semaphore_mem>>
      %dma_start3A = tpu.memref_slice %arg3[%arg0, %mul3A_24] : memref<2x10240xf32, #tpu.memory_space<hbm>> -> memref<1x640xf32, #tpu.memory_space<hbm>>
      %dma_start3A_25 = tpu.memref_squeeze %dma_start3A : memref<1x640xf32, #tpu.memory_space<hbm>> -> memref<640xf32, #tpu.memory_space<hbm>>
      %dma_start3A_26 = tpu.memref_slice %arg7[%mul3A_22] : memref<10240xf32, #tpu.memory_space<vmem_shared>> -> memref<640xf32, #tpu.memory_space<vmem_shared>>
      tpu.enqueue_dma source(%dma_start3A_26 : memref<640xf32, #tpu.memory_space<vmem_shared>>) target(%dma_start3A_25 : memref<640xf32, #tpu.memory_space<hbm>>) target_semaphore(%run_scoped3A : memref<!tpu.dma_semaphore, #tpu.memory_space<semaphore_mem>>)
      %dma_wait3A = tpu.memref_slice %arg3[%arg0, %mul3A_24] : memref<2x10240xf32, #tpu.memory_space<hbm>> -> memref<1x640xf32, #tpu.memory_space<hbm>>
      %dma_wait3A_27 = tpu.memref_squeeze %dma_wait3A : memref<1x640xf32, #tpu.memory_space<hbm>> -> memref<640xf32, #tpu.memory_space<hbm>>
      %dma_wait3A_28 = tpu.memref_slice %arg7[%mul3A_22] : memref<10240xf32, #tpu.memory_space<vmem_shared>> -> memref<640xf32, #tpu.memory_space<vmem_shared>>
      tpu.wait_dma2 semaphore(%run_scoped3A : memref<!tpu.dma_semaphore, #tpu.memory_space<semaphore_mem>>) src(%dma_wait3A_28 : memref<640xf32, #tpu.memory_space<vmem_shared>>) dst(%dma_wait3A_27 : memref<640xf32, #tpu.memory_space<hbm>>)
      tpu.yield
    }) : () -> ()
    return
  }
}

module attributes {stable_mosaic.version = 14 : i64} {
  func.func @body(%arg0: i32, %arg1: memref<1024x128xf32, #tpu.memory_space<vmem>>, %arg2: memref<128x128xf32, #tpu.memory_space<vmem>>, %arg3: memref<2x1024xf32, #tpu.memory_space<vmem>>, %arg4: memref<1024x128xf32, #tpu.memory_space<vmem>>, %arg5: memref<1024xf32, #tpu.memory_space<vmem>>) attributes {dimension_semantics = [#tpu.dimension_semantics<arbitrary>], iteration_bounds = array<i64: 10>, scalar_prefetch = 0 : i64, scratch_operands = 0 : i64, tpu.core_type = #tpu.core_type<tc>, window_params = [{transform_indices = @transform_0, window_bounds = array<i64: 1024, 128>}, {pipeline_mode = #tpu.pipeline_mode<synchronous>, transform_indices = @transform_1, window_bounds = array<i64: 128, 128>}, {transform_indices = @transform_2, window_bounds = array<i64: 2, 1024>}, {transform_indices = @transform_3, window_bounds = array<i64: 1024, 128>}, {transform_indices = @transform_4, window_bounds = array<i64: 1024>}]} {
    %get3A = arith.constant 0 : index
    %get3A_0 = arith.constant 0 : index
    %get3A_1 = vector.load %arg3[%get3A, %get3A_0] : memref<2x1024xf32, #tpu.memory_space<vmem>>, vector<1x1024xf32>
    %get3A_2 = vector.shape_cast %get3A_1 : vector<1x1024xf32> to vector<1024xf32>
    %get3A_3 = arith.constant 1 : index
    %get3A_4 = arith.constant 0 : index
    %get3A_5 = vector.load %arg3[%get3A_3, %get3A_4] : memref<2x1024xf32, #tpu.memory_space<vmem>>, vector<1x1024xf32>
    %get3A_6 = vector.shape_cast %get3A_5 : vector<1x1024xf32> to vector<1024xf32>
    %add3A = arith.addf %get3A_2, %get3A_6 : vector<1024xf32>
    %add3A_7 = arith.constant 1.000000e+00 : f32
    %add3A_8 = vector.broadcast %add3A_7 : f32 to vector<1024xf32>
    %add3A_9 = arith.addf %add3A, %add3A_8 : vector<1024xf32>
    %rsqrt3A = math.rsqrt %add3A_9 : vector<1024xf32>
    %get3A_10 = arith.constant 0 : index
    %get3A_11 = arith.constant 0 : index
    %get3A_12 = vector.load %arg1[%get3A_10, %get3A_11] : memref<1024x128xf32, #tpu.memory_space<vmem>>, vector<1024x128xf32>
    %get3A_13 = arith.constant 0 : index
    %get3A_14 = arith.constant 0 : index
    %get3A_15 = vector.load %arg2[%get3A_13, %get3A_14] : memref<128x128xf32, #tpu.memory_space<vmem>>, vector<128x128xf32>
    %dot_general3A = arith.constant dense<0.000000e+00> : vector<1024x128xf32>
    %dot_general3A_16 = tpu.matmul %get3A_12, %get3A_15, %dot_general3A {dimension_numbers = #tpu.dot_dimension_numbers<[1], [0], [0], [1], [0, 0, 1, 1], [], []>, precision = #tpu.contract_precision<fp32>, transpose_lhs_hint = false} : vector<1024x128xf32>, vector<128x128xf32>, vector<1024x128xf32> -> vector<1024x128xf32>
    %broadcast_in_dim3A = vector.shape_cast %rsqrt3A : vector<1024xf32> to vector<1024x1xf32>
    %mul3A = vector.broadcast %broadcast_in_dim3A : vector<1024x1xf32> to vector<1024x128xf32>
    %mul3A_17 = arith.mulf %dot_general3A_16, %mul3A : vector<1024x128xf32>
    %swap3A = arith.constant 0 : index
    %swap3A_18 = arith.constant 0 : index
    %swap3A_19 = vector.load %arg4[%swap3A, %swap3A_18] : memref<1024x128xf32, #tpu.memory_space<vmem>>, vector<1024x128xf32>
    tpu.vector_store %arg4[%swap3A, %swap3A_18], %mul3A_17 {strides = array<i32>} : memref<1024x128xf32, #tpu.memory_space<vmem>>, vector<1024x128xf32>,
    %swap3A_20 = arith.constant 0 : index
    %swap3A_21 = vector.load %arg5[%swap3A_20] : memref<1024xf32, #tpu.memory_space<vmem>>, vector<1024xf32>
    tpu.vector_store %arg5[%swap3A_20], %rsqrt3A {strides = array<i32>} : memref<1024xf32, #tpu.memory_space<vmem>>, vector<1024xf32>,
    return
  }
  func.func @transform_0(%arg0: i32) -> (i32, i32) {
    %c0_i32 = arith.constant 0 : i32
    %c0_i32_0 = arith.constant 0 : i32
    return %arg0, %c0_i32 : i32, i32
  }
  func.func @transform_1(%arg0: i32) -> (i32, i32) {
    %c0_i32 = arith.constant 0 : i32
    %c0_i32_0 = arith.constant 0 : i32
    %c0_i32_1 = arith.constant 0 : i32
    return %c0_i32, %c0_i32_0 : i32, i32
  }
  func.func @transform_2(%arg0: i32) -> (i32, i32) {
    %c0_i32 = arith.constant 0 : i32
    %c0_i32_0 = arith.constant 0 : i32
    return %c0_i32, %arg0 : i32, i32
  }
  func.func @transform_3(%arg0: i32) -> (i32, i32) {
    %c0_i32 = arith.constant 0 : i32
    %c0_i32_0 = arith.constant 0 : i32
    return %arg0, %c0_i32 : i32, i32
  }
  func.func @transform_4(%arg0: i32) -> i32 {
    %c0_i32 = arith.constant 0 : i32
    return %arg0 : i32
  }
}

module attributes {stable_mosaic.version = 14 : i64} {
  func.func @body(%arg0: i32, %arg1: memref<2x1024x128xf32, #tpu.memory_space<vmem>>, %arg2: memref<1024x128xf32, #tpu.memory_space<vmem>>, %arg3: memref<1024xf32, #tpu.memory_space<vmem>>, %arg4: memref<128xf32, #tpu.memory_space<vmem>>, %arg5: memref<128x128xf32, #tpu.memory_space<vmem>>, %arg6: memref<128xf32, #tpu.memory_space<vmem>>, %arg7: memref<128xf32, #tpu.memory_space<vmem>>, %arg8: memref<1xf32, #tpu.memory_space<vmem>>, %arg9: memref<1024xf32, #tpu.memory_space<vmem>>) attributes {dimension_semantics = [#tpu.dimension_semantics<arbitrary>], iteration_bounds = array<i64: 10>, scalar_prefetch = 0 : i64, scratch_operands = 0 : i64, tpu.core_type = #tpu.core_type<tc>, window_params = [{transform_indices = @transform_0, window_bounds = array<i64: 2, 1024, 128>}, {transform_indices = @transform_1, window_bounds = array<i64: 1024, 128>}, {transform_indices = @transform_2, window_bounds = array<i64: 1024>}, {pipeline_mode = #tpu.pipeline_mode<synchronous>, transform_indices = @transform_3, window_bounds = array<i64: 128>}, {pipeline_mode = #tpu.pipeline_mode<synchronous>, transform_indices = @transform_4, window_bounds = array<i64: 128, 128>}, {pipeline_mode = #tpu.pipeline_mode<synchronous>, transform_indices = @transform_5, window_bounds = array<i64: 128>}, {pipeline_mode = #tpu.pipeline_mode<synchronous>, transform_indices = @transform_6, window_bounds = array<i64: 128>}, {pipeline_mode = #tpu.pipeline_mode<synchronous>, transform_indices = @transform_7, window_bounds = array<i64: 1>}, {transform_indices = @transform_8, window_bounds = array<i64: 1024>}]} {
    %get3A = arith.constant 0 : index
    %get3A_0 = arith.constant 0 : index
    %get3A_1 = arith.constant 0 : index
    %get3A_2 = vector.load %arg1[%get3A, %get3A_0, %get3A_1] : memref<2x1024x128xf32, #tpu.memory_space<vmem>>, vector<1x1024x128xf32>
    %get3A_3 = vector.shape_cast %get3A_2 : vector<1x1024x128xf32> to vector<1024x128xf32>
    %get3A_4 = arith.constant 1 : index
    %get3A_5 = arith.constant 0 : index
    %get3A_6 = arith.constant 0 : index
    %get3A_7 = vector.load %arg1[%get3A_4, %get3A_5, %get3A_6] : memref<2x1024x128xf32, #tpu.memory_space<vmem>>, vector<1x1024x128xf32>
    %get3A_8 = vector.shape_cast %get3A_7 : vector<1x1024x128xf32> to vector<1024x128xf32>
    %add3A = arith.addf %get3A_3, %get3A_8 : vector<1024x128xf32>
    %get3A_9 = arith.constant 0 : index
    %get3A_10 = arith.constant 0 : index
    %get3A_11 = vector.load %arg2[%get3A_9, %get3A_10] : memref<1024x128xf32, #tpu.memory_space<vmem>>, vector<1024x128xf32>
    %add3A_12 = arith.addf %add3A, %get3A_11 : vector<1024x128xf32>
    %get3A_13 = arith.constant 0 : index
    %get3A_14 = vector.load %arg3[%get3A_13] : memref<1024xf32, #tpu.memory_space<vmem>>, vector<1024xf32>
    %broadcast_in_dim3A = vector.shape_cast %get3A_14 : vector<1024xf32> to vector<1024x1xf32>
    %mul3A = vector.broadcast %broadcast_in_dim3A : vector<1024x1xf32> to vector<1024x128xf32>
    %mul3A_15 = arith.mulf %add3A_12, %mul3A : vector<1024x128xf32>
    %get3A_16 = arith.constant 0 : index
    %get3A_17 = vector.load %arg4[%get3A_16] : memref<128xf32, #tpu.memory_space<vmem>>, vector<128xf32>
    %broadcast_in_dim3A_18 = vector.shape_cast %get3A_17 : vector<128xf32> to vector<1x128xf32>
    %add3A_19 = vector.broadcast %broadcast_in_dim3A_18 : vector<1x128xf32> to vector<1024x128xf32>
    %add3A_20 = arith.addf %mul3A_15, %add3A_19 : vector<1024x128xf32>
    %max3A = arith.constant 0.000000e+00 : f32
    %max3A_21 = vector.broadcast %max3A : f32 to vector<1024x128xf32>
    %max3A_22 = arith.maximumf %add3A_20, %max3A_21 : vector<1024x128xf32>
    %get3A_23 = arith.constant 0 : index
    %get3A_24 = arith.constant 0 : index
    %get3A_25 = vector.load %arg5[%get3A_23, %get3A_24] : memref<128x128xf32, #tpu.memory_space<vmem>>, vector<128x128xf32>
    %dot_general3A = arith.constant dense<0.000000e+00> : vector<1024x128xf32>
    %dot_general3A_26 = tpu.matmul %max3A_22, %get3A_25, %dot_general3A {dimension_numbers = #tpu.dot_dimension_numbers<[1], [0], [0], [1], [0, 0, 1, 1], [], []>, precision = #tpu.contract_precision<fp32>, transpose_lhs_hint = false} : vector<1024x128xf32>, vector<128x128xf32>, vector<1024x128xf32> -> vector<1024x128xf32>
    %get3A_27 = arith.constant 0 : index
    %get3A_28 = vector.load %arg6[%get3A_27] : memref<128xf32, #tpu.memory_space<vmem>>, vector<128xf32>
    %broadcast_in_dim3A_29 = vector.shape_cast %get3A_28 : vector<128xf32> to vector<1x128xf32>
    %add3A_30 = vector.broadcast %broadcast_in_dim3A_29 : vector<1x128xf32> to vector<1024x128xf32>
    %add3A_31 = arith.addf %dot_general3A_26, %add3A_30 : vector<1024x128xf32>
    %max3A_32 = arith.constant 0.000000e+00 : f32
    %max3A_33 = vector.broadcast %max3A_32 : f32 to vector<1024x128xf32>
    %max3A_34 = arith.maximumf %add3A_31, %max3A_33 : vector<1024x128xf32>
    %get3A_35 = arith.constant 0 : index
    %get3A_36 = vector.load %arg7[%get3A_35] : memref<128xf32, #tpu.memory_space<vmem>>, vector<128xf32>
    %broadcast_in_dim3A_37 = vector.shape_cast %get3A_36 : vector<128xf32> to vector<1x128xf32>
    %mul3A_38 = vector.broadcast %broadcast_in_dim3A_37 : vector<1x128xf32> to vector<1024x128xf32>
    %mul3A_39 = arith.mulf %max3A_34, %mul3A_38 : vector<1024x128xf32>
    %reduce_sum3A = arith.constant dense<0.000000e+00> : vector<1024xf32>
    %reduce_sum3A_40 = vector.multi_reduction <add>, %mul3A_39, %reduce_sum3A [1] : vector<1024x128xf32> to vector<1024xf32>
    %get3A_41 = arith.constant 0 : index
    %get3A_42 = vector.load %arg8[%get3A_41] : memref<1xf32, #tpu.memory_space<vmem>>, vector<1xf32>
    %get3A_43 = vector.extract %get3A_42[0] : f32 from vector<1xf32>
    %add3A_44 = vector.broadcast %get3A_43 : f32 to vector<1024xf32>
    %add3A_45 = arith.addf %reduce_sum3A_40, %add3A_44 : vector<1024xf32>
    %swap3A = arith.constant 0 : index
    %swap3A_46 = vector.load %arg9[%swap3A] : memref<1024xf32, #tpu.memory_space<vmem>>, vector<1024xf32>
    tpu.vector_store %arg9[%swap3A], %add3A_45 {strides = array<i32>} : memref<1024xf32, #tpu.memory_space<vmem>>, vector<1024xf32>,
    return
  }
  func.func @transform_0(%arg0: i32) -> (i32, i32, i32) {
    %c0_i32 = arith.constant 0 : i32
    %c0_i32_0 = arith.constant 0 : i32
    %c0_i32_1 = arith.constant 0 : i32
    return %c0_i32, %arg0, %c0_i32_0 : i32, i32, i32
  }
  func.func @transform_1(%arg0: i32) -> (i32, i32) {
    %c0_i32 = arith.constant 0 : i32
    %c0_i32_0 = arith.constant 0 : i32
    return %arg0, %c0_i32 : i32, i32
  }
  func.func @transform_2(%arg0: i32) -> i32 {
    %c0_i32 = arith.constant 0 : i32
    return %arg0 : i32
  }
  func.func @transform_3(%arg0: i32) -> i32 {
    %c0_i32 = arith.constant 0 : i32
    %c0_i32_0 = arith.constant 0 : i32
    return %c0_i32 : i32
  }
  func.func @transform_4(%arg0: i32) -> (i32, i32) {
    %c0_i32 = arith.constant 0 : i32
    %c0_i32_0 = arith.constant 0 : i32
    %c0_i32_1 = arith.constant 0 : i32
    return %c0_i32, %c0_i32_0 : i32, i32
  }
  func.func @transform_5(%arg0: i32) -> i32 {
    %c0_i32 = arith.constant 0 : i32
    %c0_i32_0 = arith.constant 0 : i32
    return %c0_i32 : i32
  }
  func.func @transform_6(%arg0: i32) -> i32 {
    %c0_i32 = arith.constant 0 : i32
    %c0_i32_0 = arith.constant 0 : i32
    return %c0_i32 : i32
  }
  func.func @transform_7(%arg0: i32) -> i32 {
    %c0_i32 = arith.constant 0 : i32
    %c0_i32_0 = arith.constant 0 : i32
    return %c0_i32 : i32
  }
  func.func @transform_8(%arg0: i32) -> i32 {
    %c0_i32 = arith.constant 0 : i32
    return %arg0 : i32
  }
}

</mosaic_0001>

<sc_bundles>
// kernel: kernel.6.cloned.1.call-start
scs
__scs_entry_jumppad:
0x0: {  	(pc) =	sbr.rel $0x88, $3  }
0x1: {  	(tag) =	ssettag $0x0;
	lr =	simm.s32 $0x1  }
0x2: {  	[smem:$0x3F99] =	sst lr;
	_ =	strace $0xD0000000  }
0x3: {  	_ = 	snop  }
0x4: {  	_ = 	snop  }
0x5: {  	_ = 	snop  }
0x6: {  	_ = 	snop  }
0x7: {  	_ = 	snop  }
__scs_overlays_trampoline_lowered:
0x8: {  	[smem:$0x3FA8] =	sst s0  }
0x9: {  	[smem:$0x3FA9] =	sst s1  }
0xa: {  	[smem:$0x3FAA] =	sst s2  }
0xb: {  	[smem:$0x3FAB] =	sst s3  }
0xc: {  	[smem:$0x3FAC] =	sst s4  }
0xd: {  	[smem:$0x3FAD] =	sst s5  }
0xe: {  	[smem:$0x3FAE] =	sst s6  }
0xf: {  	[smem:$0x3FAF] =	sst s7  }
0x10: {  	[smem:$0x3FB0] =	sst s8  }
0x11: {  	[smem:$0x3FB1] =	sst s9;
	s0 =	simm.s32 @!p0 $0x0  }
0x12: {  	s1 =	sld [smem:$0x3F97];
	s0 =	simm.s32 @p0 $0x1  }
0x13: {  	[smem:$0x3FB2] =	sst s0;
	s0 =	simm.s32 @!p1 $0x0  }
0x14: {  	s2 =	sld [smem:$0x3F96];
	s0 =	simm.s32 @p1 $0x1  }
0x15: {  	[smem:$0x3FB3] =	sst s0;
	s0 =	simm.s32 @!p2 $0x0  }
0x16: {  	s3 =	sld [smem:$0x3FDB];
	s0 =	simm.s32 @p2 $0x1  }
0x17: {  	s4 =	simm.s32 $0x1BF5;
	[smem:$0x3FB5] =	sst s0  }
0x18: {  	s0 =	sld [smem:$0x3F98];
	_ =	swait.ge [sflag:s4], $0x0  }
0x19: {  	s7 =	sld [smem:$0x3F99]  }
0x1a: {  	s8 =	sadd.s32 $0xFFFFE003, lr  }
0x1b: {  	s9 =	sadd.s32 $0xFFFFFEF7, lr;
	s5 =	simm.s32 $0xFFFFFFFF;
	p2 =	slt.u32 s8, $0xFFFFF086  }
0x1c: {  	p1 =	slt.u32 s9, $0xF7A;
	s5 =	simm.s32 @!p2 $0x0  }
0x1d: {  	s5 =	simm.s32 @p1 $0x1;
	p0 =	seq.s32 s7, s2  }
0x1e: {  	s7 =	smul.u32 @!p0 $0xF7A, s2;
	p2 =	seq.s32 @!p0 s5, $0x0  }
0x1f: {  	s9 =	smul.u32 $0xF7A, s1;
	s8 =	simm.s32 @!p0 $0x1BF5;
	p2 =	por !p2, p0  }
0x20: {  	[sflag:s8] =	ssyncset.s32 @!p0 $0xFFFFF086;
	s6 =	sadd.s32 @!p0 s3, s7;
	s7 =	simm.s32 @!p0 $0x108  }
0x21: {  	s3 =	sadd.s32 s3, s9;
	s6 =	sadd.s32 @!p0 $0x88, s6;
	s7 =	simm.s32 @p2 $0x1082  }
0x22: {  	[simem:s7], [sflag:s8] =	dma.local @!p0 [hbm:s6], $0xF7A  }
0x23: {  	s9 =	sor.u32 $0xD0000000, s2;
	s6 =	simm.s32 $0x108;
	_ =	swait.ge @!p0 [sflag:s8], $0x0  }
0x24: {  	s3 =	sadd.s32 $0x88, s3;
	s6 =	simm.s32 @!p1 $0x1082;
	[sflag:s4] =	ssyncset.s32 $0xFFFFF086  }
0x25: {  	[simem:s6], [sflag:s4] =	dma.local [hbm:s3], $0xF7A  }
0x26: {  	[smem:$0x3F99] =	sst s1;
	(tag) =	ssettag s2;
	_ =	strace s9  }
0x27: {  	s1 =	sld [smem:$0x3FA9]  }
0x28: {  	s2 =	sld [smem:$0x3FAA]  }
0x29: {  	s4 =	sld [smem:$0x3FAC]  }
0x2a: {  	p0 =	seq.s32 s5, $0x0;
	s5 =	sld [smem:$0x3FAD]  }
0x2b: {  	s6 =	sld [smem:$0x3FAE]  }
0x2c: {  	s7 =	sld [smem:$0x3FAF]  }
0x2d: {  	s3 =	simm.s32 $0x108;
	s8 =	sld [smem:$0x3FB0]  }
0x2e: {  	s3 =	simm.s32 @!p0 $0x1082;
	s9 =	sld [smem:$0x3FB1]  }
0x2f: {  	lr =	sadd.s32 s0, s3;
	s0 =	sld [smem:$0x3FA8]  }
0x30: {  	s3 =	sld [smem:$0x3FAB]  }
0x31: {  	[smem:$0x3FB4] =	sst s10  }
0x32: {  	s10 =	sld [smem:$0x3FB2];
	_ =	sdelay $0x3  }
0x33: {  	p0 =	seq.s32 s10, $0x1;
	s10 =	sld [smem:$0x3FB4];
	_ =	sdelay $0x3  }
0x34: {  	[smem:$0x3FB4] =	sst s10  }
0x35: {  	s10 =	sld [smem:$0x3FB3];
	_ =	sdelay $0x3  }
0x36: {  	p1 =	seq.s32 s10, $0x1;
	s10 =	sld [smem:$0x3FB4];
	_ =	sdelay $0x3  }
0x37: {  	[smem:$0x3FB4] =	sst s10  }
0x38: {  	s10 =	sld [smem:$0x3FB5]  }
0x39: {  	_ = 	snop;
	(pc) =	sbr.ind lr, $3  }
0x3a: {  	_ = 	snop  }
0x3b: {  	_ = 	snop  }
0x3c: {  	p2 =	seq.s32 s10, $0x1;
	s10 =	sld [smem:$0x3FB4]  }
0x3d: {  	_ =	shalt  }
0x3e: {  	_ =	shalt  }
0x3f: {  	_ =	shalt  }
0x40: {  	_ =	shalt  }
0x41: {  	_ =	shalt  }
0x42: {  	_ =	shalt  }
0x43: {  	_ =	shalt  }
0x44: {  	_ =	shalt  }
0x45: {  	_ =	shalt  }
0x46: {  	_ =	shalt  }
0x47: {  	_ =	shalt  }
0x48: {  	_ =	shalt  }
0x49: {  	_ =	shalt  }
0x4a: {  	_ =	shalt  }
0x4b: {  	_ =	shalt  }
0x4c: {  	_ =	shalt  }
0x4d: {  	_ =	shalt  }
0x4e: {  	_ =	shalt  }
0x4f: {  	_ =	shalt  }
0x50: {  	_ =	shalt  }
0x51: {  	_ =	shalt  }
0x52: {  	_ =	shalt  }
0x53: {  	_ =	shalt  }
0x54: {  	_ =	shalt  }
0x55: {  	_ =	shalt  }
0x56: {  	_ =	shalt  }
0x57: {  	_ =	shalt  }
0x58: {  	_ =	shalt  }
0x59: {  	_ =	shalt  }
0x5a: {  	_ =	shalt  }
0x5b: {  	_ =	shalt  }
0x5c: {  	_ =	shalt  }
0x5d: {  	_ =	shalt  }
0x5e: {  	_ =	shalt  }
0x5f: {  	_ =	shalt  }
0x60: {  	_ =	shalt  }
0x61: {  	_ =	shalt  }
0x62: {  	_ =	shalt  }
0x63: {  	_ =	shalt  }
0x64: {  	_ =	shalt  }
0x65: {  	_ =	shalt  }
0x66: {  	_ =	shalt  }
0x67: {  	_ =	shalt  }
0x68: {  	_ =	shalt  }
0x69: {  	_ =	shalt  }
0x6a: {  	_ =	shalt  }
0x6b: {  	_ =	shalt  }
0x6c: {  	_ =	shalt  }
0x6d: {  	_ =	shalt  }
0x6e: {  	_ =	shalt  }
0x6f: {  	_ =	shalt  }
0x70: {  	_ =	shalt  }
0x71: {  	_ =	shalt  }
0x72: {  	_ =	shalt  }
0x73: {  	_ =	shalt  }
0x74: {  	_ =	shalt  }
0x75: {  	_ =	shalt  }
0x76: {  	_ =	shalt  }
0x77: {  	_ =	shalt  }
0x78: {  	_ =	shalt  }
0x79: {  	_ =	shalt  }
0x7a: {  	_ =	shalt  }
0x7b: {  	_ =	shalt  }
0x7c: {  	_ =	shalt  }
0x7d: {  	_ =	shalt  }
0x7e: {  	_ =	shalt  }
0x7f: {  	_ =	shalt  }
0x80: {  	_ =	shalt  }
0x81: {  	_ =	shalt  }
0x82: {  	_ =	shalt  }
0x83: {  	_ =	shalt  }
0x84: {  	_ =	shalt  }
0x85: {  	_ =	shalt  }
0x86: {  	_ =	shalt  }
0x87: {  	_ =	shalt  }
.Lfunc_end0:
.L_simem_size_0:
called_computation_lowered:
.L_overlay_start_0:
0x88: {  	s2 =	sld [smem:$0x3FD9]  }
0x89: {  	s3 =	sld [smem:$0x3FFE];
	_ =	sdelay $0x1  }
0x8a: {  	s1 =	srdreg.scid  }
0x8b: {  	s0 =	sand.u32 $0x1, s1  }
0x8c: {  	s16 =	sshll.u32 s0, $0xA;
	s2 =	sadd.s32 s3, s2  }
0x8d: {  	s2 =	sadd.s32 s2, s16  }
0x8e: {  	[smem:$0x3FC0] =	sst s2  }
0x8f: {  	_ = 	snop  }
0x90: {  	(tm) =	ssettm $0x1  }
0x91: {  	s17 =	sld [smem:$0x3FFB];
	_ =	sdelay $0x3  }
0x92: {  	_ =	strace s17  }
0x93: {  	s2 =	sld [smem:$0x3FFC];
	_ =	sdelay $0x3  }
0x94: {  	_ =	strace s2  }
0x95: {  	s2 =	sld [smem:$0x3FFD];
	_ =	sdelay $0x3  }
0x96: {  	_ =	strace s2  }
0x97: {  	_ =	strace $0x8FFFFFFF  }
0x98: {  	s18 =	sld [smem:$0x3FDB];
	_ =	sdelay $0x1  }
0x99: {  	s19 =	simm.s32 $_scs_section_size  }
0x9a: {  	s4 =	simm.s32 $_size__tile_overlayer_lowered;
	s5 =	simm.s32 $_tile_overlayer_lowered  }
0x9b: {  	s22 =	simm.s32 $0x1BFF;
	s21 =	sshll.u32 s5, $0x1;
	s2 =	sadd.s32 s19, s18  }
0x9c: {  	s6 =	simm.s32 $0x0;
	s20 =	sshll.u32 s4, $0x1;
	s4 =	sadd.s32 s21, s2  }
0x9d: {  	[timem:s6], [sflag:s22] =	dma.local [hbm:s4], s20  }
0x9e: {  	_ =	swait.ge [sflag:s22], s20  }
0x9f: {  	s3 =	ssub.s32 $0x0, s20;
	[sflag:s22] =	ssyncset.done $0x0  }
0xa0: {  	[sflag:s22] =	ssyncadd.s32 s3;
	_ =	sdelay $0x1  }
0xa1: {  	s23 =	simm.s32 $0x1B8B  }
0xa2: {  	_ =	swait.ge [sflag:s23], $0x1  }
0xa3: {  	[sflag:s23] =	ssyncset.done $0x0  }
0xa4: {  	s25 =	simm.s32 $0x1B8E;
	s24 =	sld [smem:$0x3FFE];
	[sflag:s23] =	ssyncadd.s32 $0xFFFFFFFF  }
0xa5: {  	s26 =	simm.s32 $execute0_lowered;
	[smem:$0x3FD2] =	sst s25  }
0xa6: {  	s4 =	sshll.u32 s26, $0x1;
	_ =	strace $0x80000046;
	[dreg:$0x1] =	wrdreg $0xFFFFFFFF  }
0xa7: {  	s28 =	simm.s32 $_size_execute0_lowered;
	s2 =	sadd.s32 s2, s4;
	[dreg:$0x0] =	wrdreg $0x0  }
0xa8: {  	s4 =	sshll.u32 s28, $0x1;
	[dreg:$0x2] =	wrdreg s2  }
0xa9: {  	[dreg:$0x3] =	wrdreg s4  }
0xaa: {  	[dreg:$0x4] =	wrdreg $0xC0  }
0xab: {  	_ =	task [dreg:s6], $0x5FFFF  }
0xac: {  	[dreg:$0x1] =	wrdreg $0xFFFFFFFF  }
0xad: {  	[dreg:$0x0] =	wrdreg $0x60  }
0xae: {  	[dreg:$0x2] =	wrdreg s24  }
0xaf: {  	[dreg:$0x3] =	wrdreg $0x43000  }
0xb0: {  	[dreg:$0x4] =	wrdreg $0x9  }
0xb1: {  	_ =	task.clear_ibuf [dreg:s6], $0x5FFFF;
	_ =	strace $0x90000046  }
0xb2: {  	s29 =	simm.s32 $0x9;
	_ =	strace $0x80000048  }
0xb3: {  	_ =	swait.ge [sflag:s29], $0x1  }
0xb4: {  	[sflag:s29] =	ssyncadd.s32 $0xFFFFFFFF  }
0xb5: {  	_ =	strace $0x90000048  }
0xb6: {  	_ =	sfence  }
0xb7: {  	s30 =	sld [smem:$0x0];
	_ =	sdelay $0x2  }
0xb8: {  	s31 =	sshll.u32 s1, $0xD;
	s1 =	sshrl.u32 s1, $0x2  }
0xb9: {  	s3 =	sand.u32 $0x4000, s31;
	s1 =	sadd.s32 s1, s30  }
0xba: {  	s0 =	sor.u32 s3, s0;
	s1 =	sshll.u32 s1, $0x11  }
0xbb: {  	s0 =	sor.u32 s1, s0  }
0xbc: {  	s0 =	sadd.s32 $0x8F2B, s0  }
0xbd: {  	[sflag:s0] =	ssyncadd.remote.s32 $0x1  }
0xbe: {  	_ =	sfence.sel $0xFFFF  }
0xbf: {  	[dreg:$0x0] =	wrdreg $0xFFFFFFFF;
	(pc) =	sbr.abs _section_cstart, $3  }
0xc0: {  	[dreg:$0x1] =	wrdreg $0xFFFFFFFF  }
0xc1: {  	_ =	task.clear_ibuf [dreg:s6], $0x2FFFF;
	_ =	strace $0x9FFFFFFF  }
0xc2: {  	(tm) =	ssettm $0x7FFFFFFF  }
0xc3: {  	_ =	shalt  }
tec
execute0_lowered:
.L_overlay_start_1:
0x0: {  	(tag) =	ssettag $0x1  }
0x1: {  	s4 =	rddreg [dreg:$0x0]  }
0x2: {  	s2 =	rddreg [dreg:$0x1]  }
0x3: {  	s0 =	rddreg [dreg:$0x2];
	s5 =	srdreg.scid  }
0x4: {  	s1 =	stileid.u32;
	s3 =	simm.s32 $0x0;
	s10 =	simm.s32 $0x50  }
0x5: {  	s11 =	simm.s32 $0x4000;
	s14 =	simm.s32 $0x20;
	s15 =	simm.s32 $0x10  }
0x6: {  	s16 =	simm.s32 $0x0;
	s5 =	sand.u32 $0x1, s5;
	s6 =	smul.u32 $0x500, s1  }
0x7: {  	[smem:$0x7FF] =	sst s3;
	s28 =	smul.u32 $0xA00, s1;
	s30 =	sshll.u32 s1, $0xC  }
0x8: {  	s12 =	sshll.u32 s1, $0x6;
	s7 =	sshll.u32 s5, $0x7;
	_ =	strace $0x80000047  }
0x9: {  	s8 =	sshll.u32 s5, $0xB;
	s29 =	ssub.s32 $0x2, s5;
	s12 =	sor.u32 $0x1C01, s12  }
0xa: {  	s6 =	sor.u32 s7, s6;
	s26 =	sadd.s32 s8, s4;
	s9 =	sshrl.u32 s29, $0x1  }
0xb: {  	s8 =	sshrl.u32 s28, $0x2;
	s6 =	sshrl.u32 s6, $0x3;
	s5 =	sadd.s32 s30, s26  }
0xc: {  	s31 =	ssub.s32 s29, s9;
	s9 =	simm.s32 $0x1;
	s6 =	sadd.s32 s6, s4  }
0xd: {  	s4 =	sadd.s32 s8, s2;
	s5 =	sadd.s32 $0x2200, s5;
	s7 =	smax.u32 s31, $0x1  }
0xe: {  	v0 =	vimm.f32 $0.0e+00;
	v1 =	vimm.f32 $1.000000000e+00;
	s8 =	simm.s32 $0x4080;
	s6 =	sadd.s32 $0x12200, s6;
	s13 =	sshrl.u32 s4, $0x3  }
.LBB2_1:
0xf: {  	[tilespmem:$0x4080] =	vst v0  }
0x10: {  	[tilespmem:$0x4090] =	vst v0  }
0x11: {  	[tilespmem:$0x40A0] =	vst v0  }
0x12: {  	[tilespmem:$0x40B0] =	vst v0  }
0x13: {  	[tilespmem:$0x40C0] =	vst v0  }
0x14: {  	[tilespmem:$0x40D0] =	vst v0  }
0x15: {  	[tilespmem:$0x40E0] =	vst v0  }
0x16: {  	[tilespmem:$0x40F0] =	vst v0  }
0x17: {  	[tilespmem:$0x4100] =	vst v0  }
0x18: {  	[tilespmem:$0x4110] =	vst v0  }
0x19: {  	[tilespmem:$0x4120] =	vst v0  }
0x1a: {  	[tilespmem:$0x4130] =	vst v0  }
0x1b: {  	[tilespmem:$0x4140] =	vst v0  }
0x1c: {  	[tilespmem:$0x4150] =	vst v0  }
0x1d: {  	[tilespmem:$0x4160] =	vst v0  }
0x1e: {  	[tilespmem:$0x4170] =	vst v0  }
0x1f: {  	[tilespmem:$0x4180] =	vst v0  }
0x20: {  	[tilespmem:$0x4190] =	vst v0  }
0x21: {  	[tilespmem:$0x41A0] =	vst v0  }
0x22: {  	[tilespmem:$0x41B0] =	vst v0  }
0x23: {  	[tilespmem:$0x41C0] =	vst v0  }
0x24: {  	[tilespmem:$0x41D0] =	vst v0  }
0x25: {  	[tilespmem:$0x41E0] =	vst v0  }
0x26: {  	[tilespmem:$0x41F0] =	vst v0  }
0x27: {  	[tilespmem:$0x4200] =	vst v0  }
0x28: {  	[tilespmem:$0x4210] =	vst v0  }
0x29: {  	[tilespmem:$0x4220] =	vst v0  }
0x2a: {  	[tilespmem:$0x4230] =	vst v0  }
0x2b: {  	[tilespmem:$0x4240] =	vst v0  }
0x2c: {  	[tilespmem:$0x4250] =	vst v0  }
0x2d: {  	[tilespmem:$0x4260] =	vst v0  }
0x2e: {  	[tilespmem:$0x4270] =	vst v0  }
0x2f: {  	[tilespmem:$0x4280] =	vst v0  }
0x30: {  	[tilespmem:$0x4290] =	vst v0  }
0x31: {  	[tilespmem:$0x42A0] =	vst v0  }
0x32: {  	[tilespmem:$0x42B0] =	vst v0  }
0x33: {  	[tilespmem:$0x42C0] =	vst v0  }
0x34: {  	[tilespmem:$0x42D0] =	vst v0  }
0x35: {  	[tilespmem:$0x42E0] =	vst v0  }
0x36: {  	[tilespmem:$0x42F0] =	vst v0  }
0x37: {  	[tilespmem:$0x4000] =	vst v1  }
0x38: {  	[tilespmem:$0x4010] =	vst v1  }
0x39: {  	[tilespmem:$0x4020] =	vst v1  }
0x3a: {  	[tilespmem:$0x4030] =	vst v1  }
0x3b: {  	[tilespmem:$0x4040] =	vst v1  }
0x3c: {  	[spmem:s4] =	stream.linear.scatter [tilespmem:s8], [sflag:$0x1], $0x280, $0x38;
	[tilespmem:$0x4580] =	vst v63  }
0x3d: {  	_ =	swait.ge [sflag:s9], $0x280  }
0x3e: {  	[sflag:s9] =	ssyncset.done $0x0  }
0x3f: {  	[sflag:s9] =	ssyncadd.s32 $0xFFFFFD80  }
0x40: {  	[bflag:$0x0] =	sbarrier.arrive $0xFFFF  }
0x41: {  	[tilespmem:s3], [sflag:$0x1] =	stream.linear.gather [hbm4b:s5+s3], $0x4000, $0x38;
	[tilespmem:$0x4580] =	vst v63  }
0x42: {  	_ =	swait.ge [sflag:s9], $0x4000  }
0x43: {  	[sflag:s9] =	ssyncset.done $0x0  }
0x44: {  	s17 =	simm.s32 $0x0;
	[sflag:s9] =	ssyncadd.s32 $0xFFFFC000  }
0x45: {  	[spmem:s2] =	stream.indirect.scatter.add.f32 [tilespmem:s11], [sflag:$0x1], $0x1, s17, s10, $0xb8;
	[tilespmem:$0x4580] =	vst v63  }
0x46: {  	_ =	swait.ge [sflag:s9], $0x50  }
0x47: {  	s17 =	simm.s32 $0x200;
	[sflag:s9] =	ssyncset.done $0x0  }
.LBB2_2:
0x48: {  	s18 =	sshra.s32 s17, $0x2;
	[sflag:s9] =	ssyncadd.s32 $0xFFFFFFB0;
	p0 =	sne.s32 s17, $0xFE00  }
0x49: {  	[spmem:s2] =	stream.indirect.scatter.add.f32 [tilespmem:s11], [sflag:$0x1], $0x1, s18, s10, $0xb8;
	[tilespmem:$0x4580] =	vst v63  }
.Ltmp0:
0x4a: {  	_ = 	snop;
	(pc) =	sbr.rel @p0 .LBB2_2-.Ltmp0, $4  }
0x4b: {  	_ = 	snop  }
0x4c: {  	s17 =	sadd.s32 $0x200, s17  }
0x4d: {  	_ =	swait.ge [sflag:s9], $0x50  }
0x4e: {  	[sflag:s9] =	ssyncset.done $0x0  }
0x4f: {  	s16 =	sadd.s32 $0x1, s16  }
0x50: {  	[sflag:s9] =	ssyncadd.s32 $0xFFFFFFB0;
	p0 =	sne.s32 s16, s7  }
.Ltmp1:
0x51: {  	[bflag:$0x0] =	sbarrier.arrive $0xFFFF;
	(pc) =	sbr.rel @p0 .LBB2_1-.Ltmp1, $4  }
0x52: {  	[hbm:s6@s14], [sflag:s12] =	dma.strided [spmem:s13@s15], $0x50, s9, $0x10   }
0x53: {  	_ =	swait.ge [sflag:s9], $0x50  }
0x54: {  	[sflag:s9] =	ssyncset.done $0x0  }
0x55: {  	[sflag:s9] =	ssyncadd.s32 $0xFFFFFFB0  }
0x56: {  	_ =	sfence.sel $0x180000  }
0x57: {  	[bflag:$0x0] =	sbarrier.arrive $0xFFFF  }
0x58: {  	p0 =	sne.s32 s1, $0x0;
	_ =	strace $0x90000047  }
0x59: {  	s0 =	sadd.s32 @!p0 $0x100000, s0;
	[bflag:$0x2] =	sbarrier.arrive $0xFFFF  }
0x5a: {  	[sflag:s0] =	ssyncadd.tile.s32 @!p0 $0x1;
	_ =	shalt  }
.Lfunc_end2:
_tile_overlayer_lowered:
.L_overlay_start_2:
0x5b: {  	(tag) =	ssettag $0x2  }
0x5c: {  	s0 =	rddreg [dreg:$0x0];
	s2 =	stileid.u32  }
0x5d: {  	s1 =	rddreg [dreg:$0x1];
	p0 =	sne.s32 s2, $0x0  }
0x5e: {  	s3 =	rddreg [dreg:$0x2];
	[bflag:$0x3] =	sbarrier.arrive $0xFFFF;
	s2 =	simm.s32 @!p0 $0x1C01  }
0x5f: {  	[timem:s3], [sflag:s2] =	dma.local @!p0 [hbm:s0], s1  }
0x60: {  	s0 =	simm.s32 @!p0 $0x1  }
0x61: {  	_ =	swait.ge @!p0 [sflag:s0], s1  }
0x62: {  	s1 =	ssub.s32 @!p0 $0x0, s1;
	[sflag:s0] =	ssyncset.done @!p0 $0x0  }
0x63: {  	[sflag:s0] =	ssyncadd.s32 @!p0 s1  }
0x64: {  	[bflag:$0x3] =	sbarrier.arrive $0xFFFF  }
0x65: {  	_ =	shalt  }

// kernel: kernel.9.cloned.1.call-start
scs
__scs_entry_jumppad:
0x0: {  	(pc) =	sbr.rel $0x88, $3  }
0x1: {  	(tag) =	ssettag $0x0;
	lr =	simm.s32 $0x1  }
0x2: {  	[smem:$0x3F99] =	sst lr;
	_ =	strace $0xD0000000  }
0x3: {  	_ = 	snop  }
0x4: {  	_ = 	snop  }
0x5: {  	_ = 	snop  }
0x6: {  	_ = 	snop  }
0x7: {  	_ = 	snop  }
__scs_overlays_trampoline_lowered:
0x8: {  	[smem:$0x3FA8] =	sst s0  }
0x9: {  	[smem:$0x3FA9] =	sst s1  }
0xa: {  	[smem:$0x3FAA] =	sst s2  }
0xb: {  	[smem:$0x3FAB] =	sst s3  }
0xc: {  	[smem:$0x3FAC] =	sst s4  }
0xd: {  	[smem:$0x3FAD] =	sst s5  }
0xe: {  	[smem:$0x3FAE] =	sst s6  }
0xf: {  	[smem:$0x3FAF] =	sst s7  }
0x10: {  	[smem:$0x3FB0] =	sst s8  }
0x11: {  	[smem:$0x3FB1] =	sst s9;
	s0 =	simm.s32 @!p0 $0x0  }
0x12: {  	s1 =	sld [smem:$0x3F97];
	s0 =	simm.s32 @p0 $0x1  }
0x13: {  	[smem:$0x3FB2] =	sst s0;
	s0 =	simm.s32 @!p1 $0x0  }
0x14: {  	s2 =	sld [smem:$0x3F96];
	s0 =	simm.s32 @p1 $0x1  }
0x15: {  	[smem:$0x3FB3] =	sst s0;
	s0 =	simm.s32 @!p2 $0x0  }
0x16: {  	s3 =	sld [smem:$0x3FDB];
	s0 =	simm.s32 @p2 $0x1  }
0x17: {  	s4 =	simm.s32 $0x1BF5;
	[smem:$0x3FB5] =	sst s0  }
0x18: {  	s0 =	sld [smem:$0x3F98];
	_ =	swait.ge [sflag:s4], $0x0  }
0x19: {  	s7 =	sld [smem:$0x3F99]  }
0x1a: {  	s8 =	sadd.s32 $0xFFFFE003, lr  }
0x1b: {  	s9 =	sadd.s32 $0xFFFFFEF7, lr;
	s5 =	simm.s32 $0xFFFFFFFF;
	p2 =	slt.u32 s8, $0xFFFFF086  }
0x1c: {  	p1 =	slt.u32 s9, $0xF7A;
	s5 =	simm.s32 @!p2 $0x0  }
0x1d: {  	s5 =	simm.s32 @p1 $0x1;
	p0 =	seq.s32 s7, s2  }
0x1e: {  	s7 =	smul.u32 @!p0 $0xF7A, s2;
	p2 =	seq.s32 @!p0 s5, $0x0  }
0x1f: {  	s9 =	smul.u32 $0xF7A, s1;
	s8 =	simm.s32 @!p0 $0x1BF5;
	p2 =	por !p2, p0  }
0x20: {  	[sflag:s8] =	ssyncset.s32 @!p0 $0xFFFFF086;
	s6 =	sadd.s32 @!p0 s3, s7;
	s7 =	simm.s32 @!p0 $0x108  }
0x21: {  	s3 =	sadd.s32 s3, s9;
	s6 =	sadd.s32 @!p0 $0x88, s6;
	s7 =	simm.s32 @p2 $0x1082  }
0x22: {  	[simem:s7], [sflag:s8] =	dma.local @!p0 [hbm:s6], $0xF7A  }
0x23: {  	s9 =	sor.u32 $0xD0000000, s2;
	s6 =	simm.s32 $0x108;
	_ =	swait.ge @!p0 [sflag:s8], $0x0  }
0x24: {  	s3 =	sadd.s32 $0x88, s3;
	s6 =	simm.s32 @!p1 $0x1082;
	[sflag:s4] =	ssyncset.s32 $0xFFFFF086  }
0x25: {  	[simem:s6], [sflag:s4] =	dma.local [hbm:s3], $0xF7A  }
0x26: {  	[smem:$0x3F99] =	sst s1;
	(tag) =	ssettag s2;
	_ =	strace s9  }
0x27: {  	s1 =	sld [smem:$0x3FA9]  }
0x28: {  	s2 =	sld [smem:$0x3FAA]  }
0x29: {  	s4 =	sld [smem:$0x3FAC]  }
0x2a: {  	p0 =	seq.s32 s5, $0x0;
	s5 =	sld [smem:$0x3FAD]  }
0x2b: {  	s6 =	sld [smem:$0x3FAE]  }
0x2c: {  	s7 =	sld [smem:$0x3FAF]  }
0x2d: {  	s3 =	simm.s32 $0x108;
	s8 =	sld [smem:$0x3FB0]  }
0x2e: {  	s3 =	simm.s32 @!p0 $0x1082;
	s9 =	sld [smem:$0x3FB1]  }
0x2f: {  	lr =	sadd.s32 s0, s3;
	s0 =	sld [smem:$0x3FA8]  }
0x30: {  	s3 =	sld [smem:$0x3FAB]  }
0x31: {  	[smem:$0x3FB4] =	sst s10  }
0x32: {  	s10 =	sld [smem:$0x3FB2];
	_ =	sdelay $0x3  }
0x33: {  	p0 =	seq.s32 s10, $0x1;
	s10 =	sld [smem:$0x3FB4];
	_ =	sdelay $0x3  }
0x34: {  	[smem:$0x3FB4] =	sst s10  }
0x35: {  	s10 =	sld [smem:$0x3FB3];
	_ =	sdelay $0x3  }
0x36: {  	p1 =	seq.s32 s10, $0x1;
	s10 =	sld [smem:$0x3FB4];
	_ =	sdelay $0x3  }
0x37: {  	[smem:$0x3FB4] =	sst s10  }
0x38: {  	s10 =	sld [smem:$0x3FB5]  }
0x39: {  	_ = 	snop;
	(pc) =	sbr.ind lr, $3  }
0x3a: {  	_ = 	snop  }
0x3b: {  	_ = 	snop  }
0x3c: {  	p2 =	seq.s32 s10, $0x1;
	s10 =	sld [smem:$0x3FB4]  }
0x3d: {  	_ =	shalt  }
0x3e: {  	_ =	shalt  }
0x3f: {  	_ =	shalt  }
0x40: {  	_ =	shalt  }
0x41: {  	_ =	shalt  }
0x42: {  	_ =	shalt  }
0x43: {  	_ =	shalt  }
0x44: {  	_ =	shalt  }
0x45: {  	_ =	shalt  }
0x46: {  	_ =	shalt  }
0x47: {  	_ =	shalt  }
0x48: {  	_ =	shalt  }
0x49: {  	_ =	shalt  }
0x4a: {  	_ =	shalt  }
0x4b: {  	_ =	shalt  }
0x4c: {  	_ =	shalt  }
0x4d: {  	_ =	shalt  }
0x4e: {  	_ =	shalt  }
0x4f: {  	_ =	shalt  }
0x50: {  	_ =	shalt  }
0x51: {  	_ =	shalt  }
0x52: {  	_ =	shalt  }
0x53: {  	_ =	shalt  }
0x54: {  	_ =	shalt  }
0x55: {  	_ =	shalt  }
0x56: {  	_ =	shalt  }
0x57: {  	_ =	shalt  }
0x58: {  	_ =	shalt  }
0x59: {  	_ =	shalt  }
0x5a: {  	_ =	shalt  }
0x5b: {  	_ =	shalt  }
0x5c: {  	_ =	shalt  }
0x5d: {  	_ =	shalt  }
0x5e: {  	_ =	shalt  }
0x5f: {  	_ =	shalt  }
0x60: {  	_ =	shalt  }
0x61: {  	_ =	shalt  }
0x62: {  	_ =	shalt  }
0x63: {  	_ =	shalt  }
0x64: {  	_ =	shalt  }
0x65: {  	_ =	shalt  }
0x66: {  	_ =	shalt  }
0x67: {  	_ =	shalt  }
0x68: {  	_ =	shalt  }
0x69: {  	_ =	shalt  }
0x6a: {  	_ =	shalt  }
0x6b: {  	_ =	shalt  }
0x6c: {  	_ =	shalt  }
0x6d: {  	_ =	shalt  }
0x6e: {  	_ =	shalt  }
0x6f: {  	_ =	shalt  }
0x70: {  	_ =	shalt  }
0x71: {  	_ =	shalt  }
0x72: {  	_ =	shalt  }
0x73: {  	_ =	shalt  }
0x74: {  	_ =	shalt  }
0x75: {  	_ =	shalt  }
0x76: {  	_ =	shalt  }
0x77: {  	_ =	shalt  }
0x78: {  	_ =	shalt  }
0x79: {  	_ =	shalt  }
0x7a: {  	_ =	shalt  }
0x7b: {  	_ =	shalt  }
0x7c: {  	_ =	shalt  }
0x7d: {  	_ =	shalt  }
0x7e: {  	_ =	shalt  }
0x7f: {  	_ =	shalt  }
0x80: {  	_ =	shalt  }
0x81: {  	_ =	shalt  }
0x82: {  	_ =	shalt  }
0x83: {  	_ =	shalt  }
0x84: {  	_ =	shalt  }
0x85: {  	_ =	shalt  }
0x86: {  	_ =	shalt  }
0x87: {  	_ =	shalt  }
.Lfunc_end0:
.L_simem_size_0:
called_computation.1_lowered:
.L_overlay_start_0:
0x88: {  	s2 =	sld [smem:$0x3FD9]  }
0x89: {  	s3 =	sld [smem:$0x3FFE];
	_ =	sdelay $0x1  }
0x8a: {  	s1 =	srdreg.scid  }
0x8b: {  	s0 =	sand.u32 $0x1, s1  }
0x8c: {  	s16 =	sshll.u32 s0, $0xA;
	s2 =	sadd.s32 s3, s2  }
0x8d: {  	s2 =	sadd.s32 s2, s16  }
0x8e: {  	[smem:$0x3FC0] =	sst s2  }
0x8f: {  	_ = 	snop  }
0x90: {  	(tm) =	ssettm $0x1  }
0x91: {  	s17 =	sld [smem:$0x3FFB];
	_ =	sdelay $0x3  }
0x92: {  	_ =	strace s17  }
0x93: {  	s2 =	sld [smem:$0x3FFC];
	_ =	sdelay $0x3  }
0x94: {  	_ =	strace s2  }
0x95: {  	s2 =	sld [smem:$0x3FFD];
	_ =	sdelay $0x3  }
0x96: {  	_ =	strace s2  }
0x97: {  	_ =	strace $0x8FFFFFFF  }
0x98: {  	s18 =	sld [smem:$0x3FDB];
	_ =	sdelay $0x1  }
0x99: {  	s19 =	simm.s32 $_scs_section_size  }
0x9a: {  	s4 =	simm.s32 $_size__tile_overlayer_lowered;
	s5 =	simm.s32 $_tile_overlayer_lowered  }
0x9b: {  	s22 =	simm.s32 $0x1BFF;
	s21 =	sshll.u32 s5, $0x1;
	s2 =	sadd.s32 s19, s18  }
0x9c: {  	s6 =	simm.s32 $0x0;
	s20 =	sshll.u32 s4, $0x1;
	s4 =	sadd.s32 s21, s2  }
0x9d: {  	[timem:s6], [sflag:s22] =	dma.local [hbm:s4], s20  }
0x9e: {  	_ =	swait.ge [sflag:s22], s20  }
0x9f: {  	s3 =	ssub.s32 $0x0, s20;
	[sflag:s22] =	ssyncset.done $0x0  }
0xa0: {  	[sflag:s22] =	ssyncadd.s32 s3;
	_ =	sdelay $0x1  }
0xa1: {  	s23 =	simm.s32 $0x1B8B  }
0xa2: {  	_ =	swait.ge [sflag:s23], $0x1  }
0xa3: {  	[sflag:s23] =	ssyncset.done $0x0  }
0xa4: {  	s25 =	simm.s32 $0x1B8E;
	s24 =	sld [smem:$0x3FFE];
	[sflag:s23] =	ssyncadd.s32 $0xFFFFFFFF  }
0xa5: {  	s26 =	simm.s32 $execute0_lowered;
	[smem:$0x3FD2] =	sst s25  }
0xa6: {  	s4 =	sshll.u32 s26, $0x1;
	_ =	strace $0x80000049;
	[dreg:$0x1] =	wrdreg $0xFFFFFFFF  }
0xa7: {  	s28 =	simm.s32 $_size_execute0_lowered;
	s2 =	sadd.s32 s2, s4;
	[dreg:$0x0] =	wrdreg $0x0  }
0xa8: {  	s4 =	sshll.u32 s28, $0x1;
	[dreg:$0x2] =	wrdreg s2  }
0xa9: {  	[dreg:$0x3] =	wrdreg s4  }
0xaa: {  	[dreg:$0x4] =	wrdreg $0xC0  }
0xab: {  	_ =	task [dreg:s6], $0x5FFFF  }
0xac: {  	[dreg:$0x1] =	wrdreg $0xFFFFFFFF  }
0xad: {  	[dreg:$0x0] =	wrdreg $0x60  }
0xae: {  	[dreg:$0x2] =	wrdreg s24  }
0xaf: {  	[dreg:$0x3] =	wrdreg $0x90000  }
0xb0: {  	[dreg:$0x4] =	wrdreg $0x9  }
0xb1: {  	_ =	task.clear_ibuf [dreg:s6], $0x5FFFF;
	_ =	strace $0x90000049  }
0xb2: {  	s29 =	simm.s32 $0x9;
	_ =	strace $0x8000004B  }
0xb3: {  	_ =	swait.ge [sflag:s29], $0x1  }
0xb4: {  	[sflag:s29] =	ssyncadd.s32 $0xFFFFFFFF  }
0xb5: {  	_ =	strace $0x9000004B  }
0xb6: {  	_ =	sfence  }
0xb7: {  	s30 =	sld [smem:$0x0];
	_ =	sdelay $0x2  }
0xb8: {  	s31 =	sshll.u32 s1, $0xD;
	s1 =	sshrl.u32 s1, $0x2  }
0xb9: {  	s3 =	sand.u32 $0x4000, s31;
	s1 =	sadd.s32 s1, s30  }
0xba: {  	s0 =	sor.u32 s3, s0;
	s1 =	sshll.u32 s1, $0x11  }
0xbb: {  	s0 =	sor.u32 s1, s0  }
0xbc: {  	s0 =	sadd.s32 $0x8F2B, s0  }
0xbd: {  	[sflag:s0] =	ssyncadd.remote.s32 $0x1  }
0xbe: {  	_ =	sfence.sel $0xFFFF  }
0xbf: {  	[dreg:$0x0] =	wrdreg $0xFFFFFFFF;
	(pc) =	sbr.abs _section_cstart, $3  }
0xc0: {  	[dreg:$0x1] =	wrdreg $0xFFFFFFFF  }
0xc1: {  	_ =	task.clear_ibuf [dreg:s6], $0x2FFFF;
	_ =	strace $0x9FFFFFFF  }
0xc2: {  	(tm) =	ssettm $0x7FFFFFFF  }
0xc3: {  	_ =	shalt  }
tec
execute0_lowered:
.L_overlay_start_1:
0x0: {  	(tag) =	ssettag $0x1  }
0x1: {  	s0 =	rddreg [dreg:$0x0]  }
0x2: {  	s2 =	rddreg [dreg:$0x1];
	s1 =	srdreg.scid  }
0x3: {  	s3 =	simm.s32 $0x0;
	s8 =	stileid.u32;
	s19 =	simm.s32 $0x4000  }
0x4: {  	s20 =	simm.s32 $0x3;
	s21 =	simm.s32 $0x2000;
	s28 =	simm.s32 $0x3E00  }
0x5: {  	s29 =	simm.s32 $0x1F00;
	s30 =	simm.s32 $0x3E80;
	s31 =	simm.s32 $0x1F80  }
0x6: {  	s1 =	sand.u32 $0x1, s1;
	s4 =	sshll.u32 s8, $0xD;
	s22 =	smul.u32 $0x13C00, s8  }
0x7: {  	[smem:$0x7FF] =	sst s3;
	s8 =	smul.u32 $0x4F000, s8;
	s5 =	sshll.u32 s1, $0xC  }
0x8: {  	s6 =	smul.u32 $0x13C000, s1;
	_ =	strace $0x8000004A;
	s1 =	ssub.s32 $0x2, s1  }
0x9: {  	s4 =	sor.u32 s5, s4;
	s23 =	sshrl.u32 s1, $0x1;
	s8 =	sshrl.u32 s8, $0x2  }
0xa: {  	s7 =	sadd.s32 s4, s0;
	s4 =	sadd.s32 $0x32C00, s0;
	s5 =	sadd.s32 s22, s6  }
0xb: {  	s1 =	ssub.s32 s1, s23;
	s22 =	simm.s32 $0x50;
	s23 =	simm.s32 $0x80  }
0xc: {  	s5 =	sshrl.u32 s5, $0x3;
	s25 =	sadd.s32 $0x12C00, s7;
	s26 =	sadd.s32 $0x13000, s7  }
0xd: {  	s9 =	sadd.s32 $0x13400, s7;
	s10 =	sadd.s32 $0x13800, s7;
	s12 =	smax.u32 s1, $0x1  }
0xe: {  	s1 =	simm.s32 $0x3F80;
	s0 =	sadd.s32 s5, s0;
	[dreg:$0x4] =	wrdreg s25  }
0xf: {  	s5 =	sadd.s32 s8, s2;
	[dreg:$0x5] =	wrdreg s26;
	s25 =	simm.s32 $0x1  }
0x10: {  	s26 =	simm.s32 $0x2;
	s24 =	sadd.s32 $0x11800, s5;
	s11 =	sadd.s32 $0x59E00, s0  }
0x11: {  	s13 =	sadd.s32 $0x2800, s5;
	s14 =	sadd.s32 $0x5000, s5;
	s15 =	sadd.s32 $0x7800, s5  }
0x12: {  	s16 =	sadd.s32 $0xA000, s5;
	s17 =	sadd.s32 $0xC800, s5;
	s18 =	sadd.s32 $0xF000, s5  }
0x13: {  	v0 =	vimm.f32 $0.0e+00;
	s0 =	simm.s32 $0x3F00;
	[dreg:$0x3] =	wrdreg s24;
	s24 =	simm.s32 $0x6800  }
.LBB2_1:
0x14: {  	s6 =	simm.s32 $0x70;
	s7 =	simm.s32 $0x3C0  }
.LBB2_2:
0x15: {  	p0 =	sne.s32 s7, $0x9FC0;
	[tilespmem:s6+$0x4000] =	vst v0  }
0x16: {  	[tilespmem:s6+$0x3F90] =	vst v0  }
0x17: {  	[tilespmem:s6+$0x3FA0] =	vst v0  }
.Ltmp0:
0x18: {  	[tilespmem:s6+$0x3FB0] =	vst v0;
	(pc) =	sbr.rel @p0 .LBB2_2-.Ltmp0, $4  }
0x19: {  	[tilespmem:s6+$0x3FC0] =	vst v0  }
0x1a: {  	[tilespmem:s6+$0x3FD0] =	vst v0  }
0x1b: {  	[tilespmem:s6+$0x3FE0] =	vst v0  }
0x1c: {  	[tilespmem:s6+$0x3FF0] =	vst v0;
	s6 =	sshra.s32 s7, $0x2;
	s7 =	sadd.s32 $0x200, s7  }
0x1d: {  	[tilespmem:s6+$0x4000] =	vst v0  }
0x1e: {  	[tilespmem:s6+$0x3F90] =	vst v0  }
0x1f: {  	[tilespmem:s6+$0x3FA0] =	vst v0  }
0x20: {  	[tilespmem:s6+$0x3FB0] =	vst v0  }
0x21: {  	[tilespmem:s6+$0x3FC0] =	vst v0  }
0x22: {  	[tilespmem:s6+$0x3FD0] =	vst v0  }
0x23: {  	[tilespmem:s6+$0x3FE0] =	vst v0  }
0x24: {  	[tilespmem:s6+$0x3FF0] =	vst v0  }
0x25: {  	[spmem:s5] =	stream.linear.scatter [tilespmem:s19], [sflag:$0x3], $0x2800, $0x38;
	[tilespmem:$0x1CC00] =	vst v63  }
0x26: {  	_ =	swait.ge [sflag:s20], $0x2800  }
0x27: {  	[sflag:s20] =	ssyncset.done $0x0  }
0x28: {  	[sflag:s20] =	ssyncadd.s32 $0xFFFFD800  }
0x29: {  	[spmem:s13] =	stream.linear.scatter [tilespmem:s19], [sflag:$0x3], $0x2800, $0x38;
	[tilespmem:$0x1CC00] =	vst v63  }
0x2a: {  	_ =	swait.ge [sflag:s20], $0x2800  }
0x2b: {  	[sflag:s20] =	ssyncset.done $0x0  }
0x2c: {  	[sflag:s20] =	ssyncadd.s32 $0xFFFFD800  }
0x2d: {  	[spmem:s14] =	stream.linear.scatter [tilespmem:s19], [sflag:$0x3], $0x2800, $0x38;
	[tilespmem:$0x1CC00] =	vst v63  }
0x2e: {  	_ =	swait.ge [sflag:s20], $0x2800  }
0x2f: {  	[sflag:s20] =	ssyncset.done $0x0  }
0x30: {  	[sflag:s20] =	ssyncadd.s32 $0xFFFFD800  }
0x31: {  	[spmem:s15] =	stream.linear.scatter [tilespmem:s19], [sflag:$0x3], $0x2800, $0x38;
	[tilespmem:$0x1CC00] =	vst v63  }
0x32: {  	_ =	swait.ge [sflag:s20], $0x2800  }
0x33: {  	[sflag:s20] =	ssyncset.done $0x0  }
0x34: {  	[sflag:s20] =	ssyncadd.s32 $0xFFFFD800  }
0x35: {  	[spmem:s16] =	stream.linear.scatter [tilespmem:s19], [sflag:$0x3], $0x2800, $0x38;
	[tilespmem:$0x1CC00] =	vst v63  }
0x36: {  	_ =	swait.ge [sflag:s20], $0x2800  }
0x37: {  	[sflag:s20] =	ssyncset.done $0x0  }
0x38: {  	[sflag:s20] =	ssyncadd.s32 $0xFFFFD800  }
0x39: {  	[spmem:s17] =	stream.linear.scatter [tilespmem:s19], [sflag:$0x3], $0x2800, $0x38;
	[tilespmem:$0x1CC00] =	vst v63  }
0x3a: {  	_ =	swait.ge [sflag:s20], $0x2800  }
0x3b: {  	[sflag:s20] =	ssyncset.done $0x0  }
0x3c: {  	[sflag:s20] =	ssyncadd.s32 $0xFFFFD800  }
0x3d: {  	[spmem:s18] =	stream.linear.scatter [tilespmem:s19], [sflag:$0x3], $0x2800, $0x38;
	[tilespmem:$0x1CC00] =	vst v63  }
0x3e: {  	_ =	swait.ge [sflag:s20], $0x2800  }
0x3f: {  	[sflag:s20] =	ssyncset.done $0x0  }
0x40: {  	s7 =	rddreg [dreg:$0x3];
	[sflag:s20] =	ssyncadd.s32 $0xFFFFD800  }
0x41: {  	[spmem:s7] =	stream.linear.scatter [tilespmem:s19], [sflag:$0x3], $0x2400, $0x38;
	[tilespmem:$0x1CC00] =	vst v63  }
0x42: {  	_ =	swait.ge [sflag:s20], $0x2400  }
0x43: {  	[sflag:s20] =	ssyncset.done $0x0  }
0x44: {  	[sflag:s20] =	ssyncadd.s32 $0xFFFFDC00  }
0x45: {  	[bflag:$0x0] =	sbarrier.arrive $0xFFFF  }
0x46: {  	s6 =	simm.s32 $0x0;
	s7 =	rddreg [dreg:$0x4]  }
0x47: {  	[tilespmem:s6], [sflag:$0x3] =	stream.linear.gather [hbm4b:s7+s6], $0x2000, $0x38;
	[tilespmem:$0x1CC00] =	vst v63  }
0x48: {  	_ =	swait.ge [sflag:s20], $0x2000  }
0x49: {  	[sflag:s20] =	ssyncset.done $0x0  }
0x4a: {  	s8 =	rddreg [dreg:$0x5];
	[sflag:s20] =	ssyncadd.s32 $0xFFFFE000  }
0x4b: {  	[tilespmem:s21], [sflag:$0x3] =	stream.linear.gather [hbm4b:s8+s6], $0x2000, $0x38;
	[tilespmem:$0x1CC00] =	vst v63  }
0x4c: {  	_ =	swait.ge [sflag:s20], $0x2000  }
0x4d: {  	[sflag:s20] =	ssyncset.done $0x0  }
0x4e: {  	[sflag:s20] =	ssyncadd.s32 $0xFFFFE000  }
0x4f: {  	[tilespmem:s19], [sflag:$0x1] =	stream.indirect.gather [hbm4b:s4+s22], $0x80, s6, s22, $0xb8;
	[tilespmem:$0x1CC00] =	vst v63  }
0x50: {  	_ = 	snop  }
0x51: {  	[tilespmem:s24], [sflag:$0x2] =	stream.indirect.gather [hbm4b:s4+s22], $0x80, s23, s22, $0xb8;
	[tilespmem:$0x1CC00] =	vst v63  }
0x52: {  	_ =	swait.ge [sflag:s25], $0x2800  }
0x53: {  	[sflag:s25] =	ssyncset.done $0x0  }
0x54: {  	s8 =	simm.s32 $0x2000;
	[sflag:s25] =	ssyncadd.s32 $0xFFFFD800  }
0x55: {  	[spmem:s2] =	stream.indirect.scatter.add.f32 [tilespmem:s19], [sflag:$0x3], $0x80, s8, s22, $0xb8;
	[tilespmem:$0x1CC00] =	vst v63  }
0x56: {  	_ =	swait.ge [sflag:s20], $0x2800  }
0x57: {  	[sflag:s20] =	ssyncset.done $0x0  }
0x58: {  	s7 =	simm.s32 $0x100;
	[sflag:s20] =	ssyncadd.s32 $0xFFFFD800  }
0x59: {  	[tilespmem:s19], [sflag:$0x1] =	stream.indirect.gather [hbm4b:s4+s22], $0x80, s7, s22, $0xb8;
	[tilespmem:$0x1CC00] =	vst v63  }
0x5a: {  	_ =	swait.ge [sflag:s26], $0x2800  }
0x5b: {  	[sflag:s26] =	ssyncset.done $0x0  }
0x5c: {  	s8 =	simm.s32 $0x2080;
	[sflag:s26] =	ssyncadd.s32 $0xFFFFD800  }
0x5d: {  	[spmem:s2] =	stream.indirect.scatter.add.f32 [tilespmem:s24], [sflag:$0x3], $0x80, s8, s22, $0xb8;
	[tilespmem:$0x1CC00] =	vst v63  }
0x5e: {  	_ =	swait.ge [sflag:s20], $0x2800  }
0x5f: {  	[sflag:s20] =	ssyncset.done $0x0  }
0x60: {  	s6 =	simm.s32 $0x400;
	s7 =	simm.s32 $0x180;
	[sflag:s20] =	ssyncadd.s32 $0xFFFFD800  }
.LBB2_4:
0x61: {  	[tilespmem:s24], [sflag:$0x2] =	stream.indirect.gather [hbm4b:s4+s22], $0x80, s7, s22, $0xb8;
	[tilespmem:$0x1CC00] =	vst v63  }
0x62: {  	s7 =	smov.u32 s6  }
0x63: {  	p0 =	sne.s32 s6, $0x7400;
	s6 =	sadd.s32 $0x400, s6;
	_ =	swait.ge [sflag:s25], $0x2800  }
0x64: {  	s7 =	sshra.s32 s7, $0x2;
	[sflag:s25] =	ssyncset.done $0x0  }
0x65: {  	s8 =	sadd.s32 $0x2000, s7;
	[sflag:s25] =	ssyncadd.s32 $0xFFFFD800  }
0x66: {  	[spmem:s2] =	stream.indirect.scatter.add.f32 [tilespmem:s19], [sflag:$0x3], $0x80, s8, s22, $0xb8;
	[tilespmem:$0x1CC00] =	vst v63  }
0x67: {  	_ =	swait.ge [sflag:s20], $0x2800  }
0x68: {  	[sflag:s20] =	ssyncset.done $0x0  }
0x69: {  	s8 =	sadd.s32 $0x100, s7;
	[sflag:s20] =	ssyncadd.s32 $0xFFFFD800  }
0x6a: {  	[tilespmem:s19], [sflag:$0x1] =	stream.indirect.gather [hbm4b:s4+s22], $0x80, s8, s22, $0xb8;
	[tilespmem:$0x1CC00] =	vst v63  }
0x6b: {  	_ =	swait.ge [sflag:s26], $0x2800  }
0x6c: {  	[sflag:s26] =	ssyncset.done $0x0  }
.Ltmp1:
0x6d: {  	s8 =	sadd.s32 $0x2080, s7;
	[sflag:s26] =	ssyncadd.s32 $0xFFFFD800;
	(pc) =	sbr.rel @p0 .LBB2_4-.Ltmp1, $4  }
0x6e: {  	[spmem:s2] =	stream.indirect.scatter.add.f32 [tilespmem:s24], [sflag:$0x3], $0x80, s8, s22, $0xb8;
	[tilespmem:$0x1CC00] =	vst v63  }
0x6f: {  	_ =	swait.ge [sflag:s20], $0x2800  }
0x70: {  	[sflag:s20] =	ssyncset.done $0x0  }
0x71: {  	s7 =	sadd.s32 $0x180, s7;
	[sflag:s20] =	ssyncadd.s32 $0xFFFFD800  }
0x72: {  	[tilespmem:s24], [sflag:$0x2] =	stream.indirect.gather [hbm4b:s4+s22], $0x80, s7, s22, $0xb8;
	[tilespmem:$0x1CC00] =	vst v63  }
0x73: {  	_ =	swait.ge [sflag:s25], $0x2800  }
0x74: {  	[sflag:s25] =	ssyncset.done $0x0  }
0x75: {  	[sflag:s25] =	ssyncadd.s32 $0xFFFFD800  }
0x76: {  	[spmem:s2] =	stream.indirect.scatter.add.f32 [tilespmem:s19], [sflag:$0x3], $0x80, s28, s22, $0xb8;
	[tilespmem:$0x1CC00] =	vst v63  }
0x77: {  	_ =	swait.ge [sflag:s20], $0x2800  }
0x78: {  	[sflag:s20] =	ssyncset.done $0x0  }
0x79: {  	[sflag:s20] =	ssyncadd.s32 $0xFFFFD800  }
0x7a: {  	[tilespmem:s19], [sflag:$0x1] =	stream.indirect.gather [hbm4b:s4+s22], $0x80, s29, s22, $0xb8;
	[tilespmem:$0x1CC00] =	vst v63  }
0x7b: {  	_ =	swait.ge [sflag:s26], $0x2800  }
0x7c: {  	[sflag:s26] =	ssyncset.done $0x0  }
0x7d: {  	[sflag:s26] =	ssyncadd.s32 $0xFFFFD800  }
0x7e: {  	[spmem:s2] =	stream.indirect.scatter.add.f32 [tilespmem:s24], [sflag:$0x3], $0x80, s30, s22, $0xb8;
	[tilespmem:$0x1CC00] =	vst v63  }
0x7f: {  	_ =	swait.ge [sflag:s20], $0x2800  }
0x80: {  	[sflag:s20] =	ssyncset.done $0x0  }
0x81: {  	[sflag:s20] =	ssyncadd.s32 $0xFFFFD800  }
0x82: {  	[tilespmem:s24], [sflag:$0x2] =	stream.indirect.gather [hbm4b:s4+s22], $0x80, s31, s22, $0xb8;
	[tilespmem:$0x1CC00] =	vst v63  }
0x83: {  	_ =	swait.ge [sflag:s25], $0x2800  }
0x84: {  	[sflag:s25] =	ssyncset.done $0x0  }
0x85: {  	[sflag:s25] =	ssyncadd.s32 $0xFFFFD800  }
0x86: {  	[spmem:s2] =	stream.indirect.scatter.add.f32 [tilespmem:s19], [sflag:$0x3], $0x80, s0, s22, $0xb8;
	[tilespmem:$0x1CC00] =	vst v63  }
0x87: {  	_ =	swait.ge [sflag:s20], $0x2800  }
0x88: {  	[sflag:s20] =	ssyncset.done $0x0  }
0x89: {  	[sflag:s20] =	ssyncadd.s32 $0xFFFFD800  }
0x8a: {  	[tilespmem:s19], [sflag:$0x1] =	stream.indirect.gather [hbm4b:s4+s22], $0x80, s31, s22, $0xb8;
	[tilespmem:$0x1CC00] =	vst v63  }
0x8b: {  	_ =	swait.ge [sflag:s26], $0x2800  }
0x8c: {  	[sflag:s26] =	ssyncset.done $0x0  }
0x8d: {  	[sflag:s26] =	ssyncadd.s32 $0xFFFFD800  }
0x8e: {  	[spmem:s2] =	stream.indirect.scatter.add.f32 [tilespmem:s24], [sflag:$0x3], $0x80, s1, s22, $0xb8;
	[tilespmem:$0x1CC00] =	vst v63  }
0x8f: {  	_ =	swait.ge [sflag:s20], $0x2800  }
0x90: {  	[sflag:s20] =	ssyncset.done $0x0  }
0x91: {  	[sflag:s20] =	ssyncadd.s32 $0xFFFFD800  }
0x92: {  	[tilespmem:s24], [sflag:$0x2] =	stream.indirect.gather [hbm4b:s4+s22], $0x80, s31, s22, $0xb8;
	[tilespmem:$0x1CC00] =	vst v63  }
0x93: {  	_ =	swait.ge [sflag:s25], $0x2800  }
0x94: {  	[sflag:s25] =	ssyncset.done $0x0  }
0x95: {  	[sflag:s25] =	ssyncadd.s32 $0xFFFFD800  }
0x96: {  	_ =	swait.ge [sflag:s26], $0x2800  }
0x97: {  	[sflag:s26] =	ssyncset.done $0x0  }
0x98: {  	s6 =	simm.s32 $0x0;
	[sflag:s26] =	ssyncadd.s32 $0xFFFFD800  }
0x99: {  	[tilespmem:s6], [sflag:$0x3] =	stream.linear.gather [hbm4b:s9+s6], $0x2000, $0x38;
	[tilespmem:$0x1CC00] =	vst v63  }
0x9a: {  	_ =	swait.ge [sflag:s20], $0x2000  }
0x9b: {  	[sflag:s20] =	ssyncset.done $0x0  }
0x9c: {  	[sflag:s20] =	ssyncadd.s32 $0xFFFFE000  }
0x9d: {  	[tilespmem:s21], [sflag:$0x3] =	stream.linear.gather [hbm4b:s10+s6], $0x2000, $0x38;
	[tilespmem:$0x1CC00] =	vst v63  }
0x9e: {  	_ =	swait.ge [sflag:s20], $0x2000  }
0x9f: {  	[sflag:s20] =	ssyncset.done $0x0  }
0xa0: {  	[sflag:s20] =	ssyncadd.s32 $0xFFFFE000  }
0xa1: {  	[tilespmem:s19], [sflag:$0x1] =	stream.indirect.gather [hbm4b:s4+s22], $0x80, s6, s22, $0xb8;
	[tilespmem:$0x1CC00] =	vst v63  }
0xa2: {  	_ = 	snop  }
0xa3: {  	[tilespmem:s24], [sflag:$0x2] =	stream.indirect.gather [hbm4b:s4+s22], $0x80, s23, s22, $0xb8;
	[tilespmem:$0x1CC00] =	vst v63  }
0xa4: {  	_ =	swait.ge [sflag:s25], $0x2800  }
0xa5: {  	[sflag:s25] =	ssyncset.done $0x0  }
0xa6: {  	s8 =	simm.s32 $0x2000;
	[sflag:s25] =	ssyncadd.s32 $0xFFFFD800  }
0xa7: {  	[spmem:s2] =	stream.indirect.scatter.add.f32 [tilespmem:s19], [sflag:$0x3], $0x80, s8, s22, $0xb8;
	[tilespmem:$0x1CC00] =	vst v63  }
0xa8: {  	_ =	swait.ge [sflag:s20], $0x2800  }
0xa9: {  	[sflag:s20] =	ssyncset.done $0x0  }
0xaa: {  	s7 =	simm.s32 $0x100;
	[sflag:s20] =	ssyncadd.s32 $0xFFFFD800  }
0xab: {  	[tilespmem:s19], [sflag:$0x1] =	stream.indirect.gather [hbm4b:s4+s22], $0x80, s7, s22, $0xb8;
	[tilespmem:$0x1CC00] =	vst v63  }
0xac: {  	_ =	swait.ge [sflag:s26], $0x2800  }
0xad: {  	[sflag:s26] =	ssyncset.done $0x0  }
0xae: {  	s8 =	simm.s32 $0x2080;
	[sflag:s26] =	ssyncadd.s32 $0xFFFFD800  }
0xaf: {  	[spmem:s2] =	stream.indirect.scatter.add.f32 [tilespmem:s24], [sflag:$0x3], $0x80, s8, s22, $0xb8;
	[tilespmem:$0x1CC00] =	vst v63  }
0xb0: {  	_ =	swait.ge [sflag:s20], $0x2800  }
0xb1: {  	[sflag:s20] =	ssyncset.done $0x0  }
0xb2: {  	s6 =	simm.s32 $0x400;
	s7 =	simm.s32 $0x180;
	[sflag:s20] =	ssyncadd.s32 $0xFFFFD800  }
.LBB2_6:
0xb3: {  	[tilespmem:s24], [sflag:$0x2] =	stream.indirect.gather [hbm4b:s4+s22], $0x80, s7, s22, $0xb8;
	[tilespmem:$0x1CC00] =	vst v63  }
0xb4: {  	s7 =	smov.u32 s6  }
0xb5: {  	p0 =	sne.s32 s6, $0x7400;
	s6 =	sadd.s32 $0x400, s6;
	_ =	swait.ge [sflag:s25], $0x2800  }
0xb6: {  	s7 =	sshra.s32 s7, $0x2;
	[sflag:s25] =	ssyncset.done $0x0  }
0xb7: {  	s8 =	sadd.s32 $0x2000, s7;
	[sflag:s25] =	ssyncadd.s32 $0xFFFFD800  }
0xb8: {  	[spmem:s2] =	stream.indirect.scatter.add.f32 [tilespmem:s19], [sflag:$0x3], $0x80, s8, s22, $0xb8;
	[tilespmem:$0x1CC00] =	vst v63  }
0xb9: {  	_ =	swait.ge [sflag:s20], $0x2800  }
0xba: {  	[sflag:s20] =	ssyncset.done $0x0  }
0xbb: {  	s8 =	sadd.s32 $0x100, s7;
	[sflag:s20] =	ssyncadd.s32 $0xFFFFD800  }
0xbc: {  	[tilespmem:s19], [sflag:$0x1] =	stream.indirect.gather [hbm4b:s4+s22], $0x80, s8, s22, $0xb8;
	[tilespmem:$0x1CC00] =	vst v63  }
0xbd: {  	_ =	swait.ge [sflag:s26], $0x2800  }
0xbe: {  	[sflag:s26] =	ssyncset.done $0x0  }
.Ltmp2:
0xbf: {  	s8 =	sadd.s32 $0x2080, s7;
	[sflag:s26] =	ssyncadd.s32 $0xFFFFD800;
	(pc) =	sbr.rel @p0 .LBB2_6-.Ltmp2, $4  }
0xc0: {  	[spmem:s2] =	stream.indirect.scatter.add.f32 [tilespmem:s24], [sflag:$0x3], $0x80, s8, s22, $0xb8;
	[tilespmem:$0x1CC00] =	vst v63  }
0xc1: {  	_ =	swait.ge [sflag:s20], $0x2800  }
0xc2: {  	[sflag:s20] =	ssyncset.done $0x0  }
0xc3: {  	s7 =	sadd.s32 $0x180, s7;
	[sflag:s20] =	ssyncadd.s32 $0xFFFFD800  }
0xc4: {  	[tilespmem:s24], [sflag:$0x2] =	stream.indirect.gather [hbm4b:s4+s22], $0x80, s7, s22, $0xb8;
	[tilespmem:$0x1CC00] =	vst v63  }
0xc5: {  	_ =	swait.ge [sflag:s25], $0x2800  }
0xc6: {  	[sflag:s25] =	ssyncset.done $0x0  }
0xc7: {  	[sflag:s25] =	ssyncadd.s32 $0xFFFFD800  }
0xc8: {  	[spmem:s2] =	stream.indirect.scatter.add.f32 [tilespmem:s19], [sflag:$0x3], $0x80, s28, s22, $0xb8;
	[tilespmem:$0x1CC00] =	vst v63  }
0xc9: {  	_ =	swait.ge [sflag:s20], $0x2800  }
0xca: {  	[sflag:s20] =	ssyncset.done $0x0  }
0xcb: {  	[sflag:s20] =	ssyncadd.s32 $0xFFFFD800  }
0xcc: {  	[tilespmem:s19], [sflag:$0x1] =	stream.indirect.gather [hbm4b:s4+s22], $0x80, s29, s22, $0xb8;
	[tilespmem:$0x1CC00] =	vst v63  }
0xcd: {  	_ =	swait.ge [sflag:s26], $0x2800  }
0xce: {  	[sflag:s26] =	ssyncset.done $0x0  }
0xcf: {  	[sflag:s26] =	ssyncadd.s32 $0xFFFFD800  }
0xd0: {  	[spmem:s2] =	stream.indirect.scatter.add.f32 [tilespmem:s24], [sflag:$0x3], $0x80, s30, s22, $0xb8;
	[tilespmem:$0x1CC00] =	vst v63  }
0xd1: {  	_ =	swait.ge [sflag:s20], $0x2800  }
0xd2: {  	[sflag:s20] =	ssyncset.done $0x0  }
0xd3: {  	[sflag:s20] =	ssyncadd.s32 $0xFFFFD800  }
0xd4: {  	[tilespmem:s24], [sflag:$0x2] =	stream.indirect.gather [hbm4b:s4+s22], $0x80, s31, s22, $0xb8;
	[tilespmem:$0x1CC00] =	vst v63  }
0xd5: {  	_ =	swait.ge [sflag:s25], $0x2800  }
0xd6: {  	[sflag:s25] =	ssyncset.done $0x0  }
0xd7: {  	[sflag:s25] =	ssyncadd.s32 $0xFFFFD800  }
0xd8: {  	[spmem:s2] =	stream.indirect.scatter.add.f32 [tilespmem:s19], [sflag:$0x3], $0x80, s0, s22, $0xb8;
	[tilespmem:$0x1CC00] =	vst v63  }
0xd9: {  	_ =	swait.ge [sflag:s20], $0x2800  }
0xda: {  	[sflag:s20] =	ssyncset.done $0x0  }
0xdb: {  	[sflag:s20] =	ssyncadd.s32 $0xFFFFD800  }
0xdc: {  	[tilespmem:s19], [sflag:$0x1] =	stream.indirect.gather [hbm4b:s4+s22], $0x80, s31, s22, $0xb8;
	[tilespmem:$0x1CC00] =	vst v63  }
0xdd: {  	_ =	swait.ge [sflag:s26], $0x2800  }
0xde: {  	[sflag:s26] =	ssyncset.done $0x0  }
0xdf: {  	[sflag:s26] =	ssyncadd.s32 $0xFFFFD800  }
0xe0: {  	[spmem:s2] =	stream.indirect.scatter.add.f32 [tilespmem:s24], [sflag:$0x3], $0x80, s1, s22, $0xb8;
	[tilespmem:$0x1CC00] =	vst v63  }
0xe1: {  	_ =	swait.ge [sflag:s20], $0x2800  }
0xe2: {  	[sflag:s20] =	ssyncset.done $0x0  }
0xe3: {  	[sflag:s20] =	ssyncadd.s32 $0xFFFFD800  }
0xe4: {  	[tilespmem:s24], [sflag:$0x2] =	stream.indirect.gather [hbm4b:s4+s22], $0x80, s31, s22, $0xb8;
	[tilespmem:$0x1CC00] =	vst v63  }
0xe5: {  	_ =	swait.ge [sflag:s25], $0x2800  }
0xe6: {  	[sflag:s25] =	ssyncset.done $0x0  }
0xe7: {  	[sflag:s25] =	ssyncadd.s32 $0xFFFFD800  }
0xe8: {  	s6 =	stileid.u32;
	_ =	swait.ge [sflag:s26], $0x2800  }
0xe9: {  	s8 =	sshrl.u32 s5, $0x3;
	s3 =	sadd.s32 $0x1, s3;
	[sflag:s26] =	ssyncset.done $0x0  }
0xea: {  	s6 =	sshll.u32 s6, $0x6;
	p0 =	sne.s32 s3, s12;
	[sflag:s26] =	ssyncadd.s32 $0xFFFFD800  }
.Ltmp3:
0xeb: {  	s6 =	sor.u32 $0x1C03, s6;
	[bflag:$0x0] =	sbarrier.arrive $0xFFFF;
	(pc) =	sbr.rel @p0 .LBB2_1-.Ltmp3, $4  }
0xec: {  	[hbm:s11], [sflag:s6] =	dma.local [spmem:s8], $0x2780  }
0xed: {  	_ =	swait.ge [sflag:s20], $0x2780  }
0xee: {  	[sflag:s20] =	ssyncset.done $0x0  }
0xef: {  	[sflag:s20] =	ssyncadd.s32 $0xFFFFD880  }
0xf0: {  	_ =	sfence.sel $0x180000  }
0xf1: {  	[bflag:$0x0] =	sbarrier.arrive $0xFFFF  }
0xf2: {  	_ =	strace $0x9000004A  }
0xf3: {  	s0 =	stileid.u32;
	[bflag:$0x2] =	sbarrier.arrive $0xFFFF  }
0xf4: {  	p0 =	sne.s32 s0, $0x0;
	s0 =	rddreg [dreg:$0x2]  }
0xf5: {  	s0 =	sadd.s32 @!p0 $0x100000, s0  }
0xf6: {  	[sflag:s0] =	ssyncadd.tile.s32 @!p0 $0x1;
	_ =	shalt  }
.Lfunc_end2:
_tile_overlayer_lowered:
.L_overlay_start_2:
0xf7: {  	(tag) =	ssettag $0x2  }
0xf8: {  	s0 =	rddreg [dreg:$0x0];
	s2 =	stileid.u32  }
0xf9: {  	s1 =	rddreg [dreg:$0x1];
	p0 =	sne.s32 s2, $0x0  }
0xfa: {  	s3 =	rddreg [dreg:$0x2];
	[bflag:$0x3] =	sbarrier.arrive $0xFFFF;
	s2 =	simm.s32 @!p0 $0x1C03  }
0xfb: {  	[timem:s3], [sflag:s2] =	dma.local @!p0 [hbm:s0], s1  }
0xfc: {  	s0 =	simm.s32 @!p0 $0x3  }
0xfd: {  	_ =	swait.ge @!p0 [sflag:s0], s1  }
0xfe: {  	s1 =	ssub.s32 @!p0 $0x0, s1;
	[sflag:s0] =	ssyncset.done @!p0 $0x0  }
0xff: {  	[sflag:s0] =	ssyncadd.s32 @!p0 s1  }
0x100: {  	[bflag:$0x3] =	sbarrier.arrive $0xFFFF  }
0x101: {  	_ =	shalt  }

</sc_bundles>
